<compile_context>
chip_gen: v7x
topology: tpu7x:2x2x1
jax: 0.10.2.dev20260603
libtpu: 0.0.44.dev20260713+nightly
codegen_flags: <defaults>
</compile_context>

<pallas_src>
import functools

import jax
import jax.numpy as jnp
from jax import lax
from jax.experimental import pallas as pl
from jax.experimental.pallas import tpu as pltpu
from jax.experimental.pallas import tpu_sc as plsc

_N = 50000


def _splat_sum(v, lane, tmp_v):
    for k in (8, 4, 2, 1):
        tmp_v[...] = v
        v = v + plsc.load_gather(tmp_v, [jnp.bitwise_xor(lane, k)])
    return v


def _splat_max(v, lane, tmp_v):
    for k in (8, 4, 2, 1):
        tmp_v[...] = v
        v = jnp.maximum(v, plsc.load_gather(tmp_v, [jnp.bitwise_xor(lane, k)]))
    return v


def _sc_row_kernel(b2_hbm, wm_hbm, bm_hbm, out_hbm, b2_v, wm_v, bm_v, row_v, tmp_v):
    cid = lax.axis_index("c")
    sid = lax.axis_index("s")

    @pl.when(jnp.logical_and(cid == 0, sid == 0))
    def _():
        pltpu.sync_copy(b2_hbm, b2_v)
        pltpu.sync_copy(wm_hbm, wm_v)
        pltpu.sync_copy(bm_hbm, bm_v)
        lane = lax.iota(jnp.int32, 16)
        lvec = bm_v[...]
        for j in range(4):
            acc = wm_v[j, pl.ds(0, 16)] * b2_v[pl.ds(0, 16)]
            for i in range(1, 16):
                acc = acc + wm_v[j, pl.ds(16 * i, 16)] * b2_v[pl.ds(16 * i, 16)]
            lvec = lvec + jnp.where(lane == j, _splat_sum(acc, lane, tmp_v), 0.0)
        valid = lane < 4
        m_v = _splat_max(jnp.where(valid, lvec, jnp.full((16,), -3.0e38)), lane, tmp_v)
        shifted = lvec - m_v
        s_v = _splat_sum(jnp.where(valid, jnp.exp(shifted), 0.0), lane, tmp_v)
        y = 2.0 * (s_v - 1.0) / (s_v + 1.0)
        for _ in range(3):
            y = y - 1.0 + s_v * jnp.exp(-y)
        row_v[...] = shifted - y
        pltpu.sync_copy(row_v, out_hbm)


def kernel(x, sadj, b1, b2, W_mlp, b_mlp):
    del x, sadj, b1
    bm16 = jnp.concatenate([b_mlp, jnp.zeros((12,), jnp.float32)])
    mesh = plsc.VectorSubcoreMesh(core_axis_name="c", subcore_axis_name="s")
    row16 = functools.partial(
        pl.kernel,
        mesh=mesh,
        compiler_params=pltpu.CompilerParams(needs_layout_passes=False),
        out_type=jax.ShapeDtypeStruct((16,), jnp.float32),
        scratch_types=[
            pltpu.VMEM((256,), jnp.float32),
            pltpu.VMEM((4, 256), jnp.float32),
            pltpu.VMEM((16,), jnp.float32),
            pltpu.VMEM((16,), jnp.float32),
            pltpu.VMEM((16,), jnp.float32),
        ],
    )(_sc_row_kernel)(b2, W_mlp, bm16)
    return jnp.broadcast_to(row16[:4], (_N, 4))

# --- scband reference (transcript-rebuilt; emitter-appended) ---
"""Pipeline reference for scband-gcn-19164144075571 (READ-ONLY COPY).

The authoritative reference and input builder live on the scoring server;
editing this copy changes nothing except your own understanding.
"""

import jax, jax.numpy as jnp
import numpy as np


def setup_inputs(seed: int = 0) -> dict:
    key = jax.random.key(seed)
    ks = jax.random.split(key, 6)
    N = 50000
    x = jax.random.normal(ks[0], (N, 22), dtype=jnp.float32)
    sadj = jax.random.uniform(ks[1], (N, 1000), dtype=jnp.float32)
    # GraphConvolution biases (torch leaves them uninitialized; use small random values)
    b1 = jax.random.normal(ks[2], (128,), dtype=jnp.float32) * 0.1
    b2 = jax.random.normal(ks[3], (256,), dtype=jnp.float32) * 0.1
    # MLP: nn.Linear(256, 4)
    W_mlp = jax.random.normal(ks[4], (4, 256), dtype=jnp.float32) * (1.0 / np.sqrt(256.0))
    b_mlp = jax.random.normal(ks[5], (4,), dtype=jnp.float32) * 0.01
    return {"x": x, "sadj": sadj, "b1": b1, "b2": b2, "W_mlp": W_mlp, "b_mlp": b_mlp}


def reference(x, sadj, b1, b2, W_mlp, b_mlp):
    # --- gc1 ---
    # The torch code overwrites `input` with torch.sparse.FloatTensor(1000, in_features),
    # i.e. an all-zero sparse matrix, and self.weight is an empty sparse tensor (all zeros).
    inp1 = jnp.zeros((1000, 22), dtype=jnp.float32)
    w1 = jnp.zeros((22, 128), dtype=jnp.float32)
    support1 = inp1 @ w1                      # spmm(input, weight) -> zeros [1000, 128]
    out1 = sadj @ support1 + b1               # spmm(adj, support).to_dense() + bias
    h = jax.nn.relu(out1)
    # F.dropout in eval mode is identity; h is discarded because gc2 ignores its input.
    _ = h
    # --- gc2 ---
    inp2 = jnp.zeros((1000, 128), dtype=jnp.float32)
    w2 = jnp.zeros((128, 256), dtype=jnp.float32)
    support2 = inp2 @ w2                      # zeros [1000, 256]
    out2 = sadj @ support2 + b2               # zeros + bias broadcast -> [N, 256]
    # --- MLP: Linear(256, 4) + LogSoftmax(dim=1) ---
    logits = out2 @ W_mlp.T + b_mlp
    return jax.nn.log_softmax(logits, axis=1)

if __name__ == "__main__":
    import jax
    _d = setup_inputs()
    print(jax.jit(kernel)(*tuple(_d.values())))

</pallas_src>

<mosaic_0001>
#map = affine_map<(d0, d1) -> (0)>
#map1 = affine_map<(d0, d1) -> (0, 0)>
module attributes {stable_mosaic.version = 14 : i64} {
  func.func @_sc_row_kernel(%arg0: i32, %arg1: i32, %arg2: memref<256xf32, #tpu.memory_space<hbm>>, %arg3: memref<4x256xf32, #tpu.memory_space<hbm>>, %arg4: memref<16xf32, #tpu.memory_space<hbm>>, %arg5: memref<16xf32, #tpu.memory_space<hbm>>, %arg6: memref<256xf32, #tpu.memory_space<vmem>>, %arg7: memref<4x256xf32, #tpu.memory_space<vmem>>, %arg8: memref<16xf32, #tpu.memory_space<vmem>>, %arg9: memref<16xf32, #tpu.memory_space<vmem>>, %arg10: memref<16xf32, #tpu.memory_space<vmem>>) attributes {dimension_semantics = [#tpu.dimension_semantics<core_parallel>, #tpu.dimension_semantics<subcore_parallel>], iteration_bounds = array<i64: 2, 16>, scalar_prefetch = 0 : i64, scratch_operands = 5 : i64, tpu.core_type = #tpu.core_type<sc_vector_subcore>, window_params = [{transform_indices = #map}, {transform_indices = #map1}, {transform_indices = #map}, {transform_indices = #map}]} {
    %eq3A = arith.constant 0 : i32
    %eq3A_0 = arith.cmpi eq, %arg0, %eq3A : i32
    %eq3A_1 = arith.constant 0 : i32
    %eq3A_2 = arith.cmpi eq, %arg1, %eq3A_1 : i32
    %and3A = arith.andi %eq3A_0, %eq3A_2 : i1
    %convert_element_type3A = arith.extui %and3A : i1 to i32
    %cond3A = arith.constant 0 : i32
    %cond3A_3 = arith.cmpi ne, %convert_element_type3A, %cond3A : i32
    scf.if %cond3A_3 {
      "tpu.region"() ({
        %run_scoped3A = tpu.sem_alloc : memref<!tpu.dma_semaphore, #tpu.memory_space<semaphore_mem>>
        tpu.enqueue_dma source(%arg2 : memref<256xf32, #tpu.memory_space<hbm>>) target(%arg6 : memref<256xf32, #tpu.memory_space<vmem>>) target_semaphore(%run_scoped3A : memref<!tpu.dma_semaphore, #tpu.memory_space<semaphore_mem>>)
        tpu.wait_dma2 semaphore(%run_scoped3A : memref<!tpu.dma_semaphore, #tpu.memory_space<semaphore_mem>>) src(%arg2 : memref<256xf32, #tpu.memory_space<hbm>>) dst(%arg6 : memref<256xf32, #tpu.memory_space<vmem>>)
        tpu.yield
      }) : () -> ()
      "tpu.region"() ({
        %run_scoped3A = tpu.sem_alloc : memref<!tpu.dma_semaphore, #tpu.memory_space<semaphore_mem>>
        tpu.enqueue_dma source(%arg3 : memref<4x256xf32, #tpu.memory_space<hbm>>) target(%arg7 : memref<4x256xf32, #tpu.memory_space<vmem>>) target_semaphore(%run_scoped3A : memref<!tpu.dma_semaphore, #tpu.memory_space<semaphore_mem>>)
        tpu.wait_dma2 semaphore(%run_scoped3A : memref<!tpu.dma_semaphore, #tpu.memory_space<semaphore_mem>>) src(%arg3 : memref<4x256xf32, #tpu.memory_space<hbm>>) dst(%arg7 : memref<4x256xf32, #tpu.memory_space<vmem>>)
        tpu.yield
      }) : () -> ()
      "tpu.region"() ({
        %run_scoped3A = tpu.sem_alloc : memref<!tpu.dma_semaphore, #tpu.memory_space<semaphore_mem>>
        tpu.enqueue_dma source(%arg4 : memref<16xf32, #tpu.memory_space<hbm>>) target(%arg8 : memref<16xf32, #tpu.memory_space<vmem>>) target_semaphore(%run_scoped3A : memref<!tpu.dma_semaphore, #tpu.memory_space<semaphore_mem>>)
        tpu.wait_dma2 semaphore(%run_scoped3A : memref<!tpu.dma_semaphore, #tpu.memory_space<semaphore_mem>>) src(%arg4 : memref<16xf32, #tpu.memory_space<hbm>>) dst(%arg8 : memref<16xf32, #tpu.memory_space<vmem>>)
        tpu.yield
      }) : () -> ()
      %iota3A = tpu.iota {dimensions = array<i32: 0>} : vector<16xi32>
      %get3A = arith.constant 0 : index
      %get3A_4 = tpu.vector_load %arg8[%get3A] {strides = array<i32>} : memref<16xf32, #tpu.memory_space<vmem>>, vector<16xf32>,
      %get3A_5 = arith.constant 0 : i32
      %get3A_6 = arith.index_cast %get3A_5 : i32 to index
      %get3A_7 = arith.constant 0 : index
      %get3A_8 = tpu.vector_load %arg7[%get3A_6, %get3A_7] {strides = array<i32>} : memref<4x256xf32, #tpu.memory_space<vmem>>, vector<16xf32>,
      %get3A_9 = arith.constant 0 : index
      %get3A_10 = tpu.vector_load %arg6[%get3A_9] {strides = array<i32>} : memref<256xf32, #tpu.memory_space<vmem>>, vector<16xf32>,
      %mul3A = arith.mulf %get3A_8, %get3A_10 : vector<16xf32>
      %get3A_11 = arith.constant 0 : i32
      %get3A_12 = arith.index_cast %get3A_11 : i32 to index
      %get3A_13 = arith.constant 16 : index
      %get3A_14 = tpu.vector_load %arg7[%get3A_12, %get3A_13] {strides = array<i32>} : memref<4x256xf32, #tpu.memory_space<vmem>>, vector<16xf32>,
      %get3A_15 = arith.constant 16 : index
      %get3A_16 = tpu.vector_load %arg6[%get3A_15] {strides = array<i32>} : memref<256xf32, #tpu.memory_space<vmem>>, vector<16xf32>,
      %mul3A_17 = arith.mulf %get3A_14, %get3A_16 : vector<16xf32>
      %add3A = arith.addf %mul3A, %mul3A_17 : vector<16xf32>
      %get3A_18 = arith.constant 0 : i32
      %get3A_19 = arith.index_cast %get3A_18 : i32 to index
      %get3A_20 = arith.constant 32 : index
      %get3A_21 = tpu.vector_load %arg7[%get3A_19, %get3A_20] {strides = array<i32>} : memref<4x256xf32, #tpu.memory_space<vmem>>, vector<16xf32>,
      %get3A_22 = arith.constant 32 : index
      %get3A_23 = tpu.vector_load %arg6[%get3A_22] {strides = array<i32>} : memref<256xf32, #tpu.memory_space<vmem>>, vector<16xf32>,
      %mul3A_24 = arith.mulf %get3A_21, %get3A_23 : vector<16xf32>
      %add3A_25 = arith.addf %add3A, %mul3A_24 : vector<16xf32>
      %get3A_26 = arith.constant 0 : i32
      %get3A_27 = arith.index_cast %get3A_26 : i32 to index
      %get3A_28 = arith.constant 48 : index
      %get3A_29 = tpu.vector_load %arg7[%get3A_27, %get3A_28] {strides = array<i32>} : memref<4x256xf32, #tpu.memory_space<vmem>>, vector<16xf32>,
      %get3A_30 = arith.constant 48 : index
      %get3A_31 = tpu.vector_load %arg6[%get3A_30] {strides = array<i32>} : memref<256xf32, #tpu.memory_space<vmem>>, vector<16xf32>,
      %mul3A_32 = arith.mulf %get3A_29, %get3A_31 : vector<16xf32>
      %add3A_33 = arith.addf %add3A_25, %mul3A_32 : vector<16xf32>
      %get3A_34 = arith.constant 0 : i32
      %get3A_35 = arith.index_cast %get3A_34 : i32 to index
      %get3A_36 = arith.constant 64 : index
      %get3A_37 = tpu.vector_load %arg7[%get3A_35, %get3A_36] {strides = array<i32>} : memref<4x256xf32, #tpu.memory_space<vmem>>, vector<16xf32>,
      %get3A_38 = arith.constant 64 : index
      %get3A_39 = tpu.vector_load %arg6[%get3A_38] {strides = array<i32>} : memref<256xf32, #tpu.memory_space<vmem>>, vector<16xf32>,
      %mul3A_40 = arith.mulf %get3A_37, %get3A_39 : vector<16xf32>
      %add3A_41 = arith.addf %add3A_33, %mul3A_40 : vector<16xf32>
      %get3A_42 = arith.constant 0 : i32
      %get3A_43 = arith.index_cast %get3A_42 : i32 to index
      %get3A_44 = arith.constant 80 : index
      %get3A_45 = tpu.vector_load %arg7[%get3A_43, %get3A_44] {strides = array<i32>} : memref<4x256xf32, #tpu.memory_space<vmem>>, vector<16xf32>,
      %get3A_46 = arith.constant 80 : index
      %get3A_47 = tpu.vector_load %arg6[%get3A_46] {strides = array<i32>} : memref<256xf32, #tpu.memory_space<vmem>>, vector<16xf32>,
      %mul3A_48 = arith.mulf %get3A_45, %get3A_47 : vector<16xf32>
      %add3A_49 = arith.addf %add3A_41, %mul3A_48 : vector<16xf32>
      %get3A_50 = arith.constant 0 : i32
      %get3A_51 = arith.index_cast %get3A_50 : i32 to index
      %get3A_52 = arith.constant 96 : index
      %get3A_53 = tpu.vector_load %arg7[%get3A_51, %get3A_52] {strides = array<i32>} : memref<4x256xf32, #tpu.memory_space<vmem>>, vector<16xf32>,
      %get3A_54 = arith.constant 96 : index
      %get3A_55 = tpu.vector_load %arg6[%get3A_54] {strides = array<i32>} : memref<256xf32, #tpu.memory_space<vmem>>, vector<16xf32>,
      %mul3A_56 = arith.mulf %get3A_53, %get3A_55 : vector<16xf32>
      %add3A_57 = arith.addf %add3A_49, %mul3A_56 : vector<16xf32>
      %get3A_58 = arith.constant 0 : i32
      %get3A_59 = arith.index_cast %get3A_58 : i32 to index
      %get3A_60 = arith.constant 112 : index
      %get3A_61 = tpu.vector_load %arg7[%get3A_59, %get3A_60] {strides = array<i32>} : memref<4x256xf32, #tpu.memory_space<vmem>>, vector<16xf32>,
      %get3A_62 = arith.constant 112 : index
      %get3A_63 = tpu.vector_load %arg6[%get3A_62] {strides = array<i32>} : memref<256xf32, #tpu.memory_space<vmem>>, vector<16xf32>,
      %mul3A_64 = arith.mulf %get3A_61, %get3A_63 : vector<16xf32>
      %add3A_65 = arith.addf %add3A_57, %mul3A_64 : vector<16xf32>
      %get3A_66 = arith.constant 0 : i32
      %get3A_67 = arith.index_cast %get3A_66 : i32 to index
      %get3A_68 = arith.constant 128 : index
      %get3A_69 = tpu.vector_load %arg7[%get3A_67, %get3A_68] {strides = array<i32>} : memref<4x256xf32, #tpu.memory_space<vmem>>, vector<16xf32>,
      %get3A_70 = arith.constant 128 : index
      %get3A_71 = tpu.vector_load %arg6[%get3A_70] {strides = array<i32>} : memref<256xf32, #tpu.memory_space<vmem>>, vector<16xf32>,
      %mul3A_72 = arith.mulf %get3A_69, %get3A_71 : vector<16xf32>
      %add3A_73 = arith.addf %add3A_65, %mul3A_72 : vector<16xf32>
      %get3A_74 = arith.constant 0 : i32
      %get3A_75 = arith.index_cast %get3A_74 : i32 to index
      %get3A_76 = arith.constant 144 : index
      %get3A_77 = tpu.vector_load %arg7[%get3A_75, %get3A_76] {strides = array<i32>} : memref<4x256xf32, #tpu.memory_space<vmem>>, vector<16xf32>,
      %get3A_78 = arith.constant 144 : index
      %get3A_79 = tpu.vector_load %arg6[%get3A_78] {strides = array<i32>} : memref<256xf32, #tpu.memory_space<vmem>>, vector<16xf32>,
      %mul3A_80 = arith.mulf %get3A_77, %get3A_79 : vector<16xf32>
      %add3A_81 = arith.addf %add3A_73, %mul3A_80 : vector<16xf32>
      %get3A_82 = arith.constant 0 : i32
      %get3A_83 = arith.index_cast %get3A_82 : i32 to index
      %get3A_84 = arith.constant 160 : index
      %get3A_85 = tpu.vector_load %arg7[%get3A_83, %get3A_84] {strides = array<i32>} : memref<4x256xf32, #tpu.memory_space<vmem>>, vector<16xf32>,
      %get3A_86 = arith.constant 160 : index
      %get3A_87 = tpu.vector_load %arg6[%get3A_86] {strides = array<i32>} : memref<256xf32, #tpu.memory_space<vmem>>, vector<16xf32>,
      %mul3A_88 = arith.mulf %get3A_85, %get3A_87 : vector<16xf32>
      %add3A_89 = arith.addf %add3A_81, %mul3A_88 : vector<16xf32>
      %get3A_90 = arith.constant 0 : i32
      %get3A_91 = arith.index_cast %get3A_90 : i32 to index
      %get3A_92 = arith.constant 176 : index
      %get3A_93 = tpu.vector_load %arg7[%get3A_91, %get3A_92] {strides = array<i32>} : memref<4x256xf32, #tpu.memory_space<vmem>>, vector<16xf32>,
      %get3A_94 = arith.constant 176 : index
      %get3A_95 = tpu.vector_load %arg6[%get3A_94] {strides = array<i32>} : memref<256xf32, #tpu.memory_space<vmem>>, vector<16xf32>,
      %mul3A_96 = arith.mulf %get3A_93, %get3A_95 : vector<16xf32>
      %add3A_97 = arith.addf %add3A_89, %mul3A_96 : vector<16xf32>
      %get3A_98 = arith.constant 0 : i32
      %get3A_99 = arith.index_cast %get3A_98 : i32 to index
      %get3A_100 = arith.constant 192 : index
      %get3A_101 = tpu.vector_load %arg7[%get3A_99, %get3A_100] {strides = array<i32>} : memref<4x256xf32, #tpu.memory_space<vmem>>, vector<16xf32>,
      %get3A_102 = arith.constant 192 : index
      %get3A_103 = tpu.vector_load %arg6[%get3A_102] {strides = array<i32>} : memref<256xf32, #tpu.memory_space<vmem>>, vector<16xf32>,
      %mul3A_104 = arith.mulf %get3A_101, %get3A_103 : vector<16xf32>
      %add3A_105 = arith.addf %add3A_97, %mul3A_104 : vector<16xf32>
      %get3A_106 = arith.constant 0 : i32
      %get3A_107 = arith.index_cast %get3A_106 : i32 to index
      %get3A_108 = arith.constant 208 : index
      %get3A_109 = tpu.vector_load %arg7[%get3A_107, %get3A_108] {strides = array<i32>} : memref<4x256xf32, #tpu.memory_space<vmem>>, vector<16xf32>,
      %get3A_110 = arith.constant 208 : index
      %get3A_111 = tpu.vector_load %arg6[%get3A_110] {strides = array<i32>} : memref<256xf32, #tpu.memory_space<vmem>>, vector<16xf32>,
      %mul3A_112 = arith.mulf %get3A_109, %get3A_111 : vector<16xf32>
      %add3A_113 = arith.addf %add3A_105, %mul3A_112 : vector<16xf32>
      %get3A_114 = arith.constant 0 : i32
      %get3A_115 = arith.index_cast %get3A_114 : i32 to index
      %get3A_116 = arith.constant 224 : index
      %get3A_117 = tpu.vector_load %arg7[%get3A_115, %get3A_116] {strides = array<i32>} : memref<4x256xf32, #tpu.memory_space<vmem>>, vector<16xf32>,
      %get3A_118 = arith.constant 224 : index
      %get3A_119 = tpu.vector_load %arg6[%get3A_118] {strides = array<i32>} : memref<256xf32, #tpu.memory_space<vmem>>, vector<16xf32>,
      %mul3A_120 = arith.mulf %get3A_117, %get3A_119 : vector<16xf32>
      %add3A_121 = arith.addf %add3A_113, %mul3A_120 : vector<16xf32>
      %get3A_122 = arith.constant 0 : i32
      %get3A_123 = arith.index_cast %get3A_122 : i32 to index
      %get3A_124 = arith.constant 240 : index
      %get3A_125 = tpu.vector_load %arg7[%get3A_123, %get3A_124] {strides = array<i32>} : memref<4x256xf32, #tpu.memory_space<vmem>>, vector<16xf32>,
      %get3A_126 = arith.constant 240 : index
      %get3A_127 = tpu.vector_load %arg6[%get3A_126] {strides = array<i32>} : memref<256xf32, #tpu.memory_space<vmem>>, vector<16xf32>,
      %mul3A_128 = arith.mulf %get3A_125, %get3A_127 : vector<16xf32>
      %add3A_129 = arith.addf %add3A_121, %mul3A_128 : vector<16xf32>
      %eq3A_130 = arith.constant 0 : i32
      %eq3A_131 = vector.broadcast %eq3A_130 : i32 to vector<16xi32>
      %eq3A_132 = arith.cmpi eq, %iota3A, %eq3A_131 : vector<16xi32>
      %swap3A = arith.constant 0 : index
      %swap3A_133 = tpu.vector_load %arg10[%swap3A] {strides = array<i32>} : memref<16xf32, #tpu.memory_space<vmem>>, vector<16xf32>,
      tpu.vector_store %arg10[%swap3A], %add3A_129 {strides = array<i32>} : memref<16xf32, #tpu.memory_space<vmem>>, vector<16xf32>,
      %xor3A = arith.constant 8 : i32
      %xor3A_134 = vector.broadcast %xor3A : i32 to vector<16xi32>
      %xor3A_135 = arith.xori %iota3A, %xor3A_134 : vector<16xi32>
      %gather3A = tpu.vector_load_idx %arg10[%xor3A_135] : memref<16xf32, #tpu.memory_space<vmem>>[vector<16xi32>], vector<16xf32>,
      %add3A_136 = arith.addf %add3A_129, %gather3A : vector<16xf32>
      %swap3A_137 = arith.constant 0 : index
      %swap3A_138 = tpu.vector_load %arg10[%swap3A_137] {strides = array<i32>} : memref<16xf32, #tpu.memory_space<vmem>>, vector<16xf32>,
      tpu.vector_store %arg10[%swap3A_137], %add3A_136 {strides = array<i32>} : memref<16xf32, #tpu.memory_space<vmem>>, vector<16xf32>,
      %xor3A_139 = arith.constant 4 : i32
      %xor3A_140 = vector.broadcast %xor3A_139 : i32 to vector<16xi32>
      %xor3A_141 = arith.xori %iota3A, %xor3A_140 : vector<16xi32>
      %gather3A_142 = tpu.vector_load_idx %arg10[%xor3A_141] : memref<16xf32, #tpu.memory_space<vmem>>[vector<16xi32>], vector<16xf32>,
      %add3A_143 = arith.addf %add3A_136, %gather3A_142 : vector<16xf32>
      %swap3A_144 = arith.constant 0 : index
      %swap3A_145 = tpu.vector_load %arg10[%swap3A_144] {strides = array<i32>} : memref<16xf32, #tpu.memory_space<vmem>>, vector<16xf32>,
      tpu.vector_store %arg10[%swap3A_144], %add3A_143 {strides = array<i32>} : memref<16xf32, #tpu.memory_space<vmem>>, vector<16xf32>,
      %xor3A_146 = arith.constant 2 : i32
      %xor3A_147 = vector.broadcast %xor3A_146 : i32 to vector<16xi32>
      %xor3A_148 = arith.xori %iota3A, %xor3A_147 : vector<16xi32>
      %gather3A_149 = tpu.vector_load_idx %arg10[%xor3A_148] : memref<16xf32, #tpu.memory_space<vmem>>[vector<16xi32>], vector<16xf32>,
      %add3A_150 = arith.addf %add3A_143, %gather3A_149 : vector<16xf32>
      %swap3A_151 = arith.constant 0 : index
      %swap3A_152 = tpu.vector_load %arg10[%swap3A_151] {strides = array<i32>} : memref<16xf32, #tpu.memory_space<vmem>>, vector<16xf32>,
      tpu.vector_store %arg10[%swap3A_151], %add3A_150 {strides = array<i32>} : memref<16xf32, #tpu.memory_space<vmem>>, vector<16xf32>,
      %xor3A_153 = arith.constant 1 : i32
      %xor3A_154 = vector.broadcast %xor3A_153 : i32 to vector<16xi32>
      %xor3A_155 = arith.xori %iota3A, %xor3A_154 : vector<16xi32>
      %gather3A_156 = tpu.vector_load_idx %arg10[%xor3A_155] : memref<16xf32, #tpu.memory_space<vmem>>[vector<16xi32>], vector<16xf32>,
      %add3A_157 = arith.addf %add3A_150, %gather3A_156 : vector<16xf32>
      %jit3A = arith.constant 0.000000e+00 : f32
      %broadcast_in_dim3A = vector.broadcast %jit3A : f32 to vector<16xf32>
      %select_n3A = arith.select %eq3A_132, %add3A_157, %broadcast_in_dim3A : vector<16xi1>, vector<16xf32>
      %add3A_158 = arith.addf %get3A_4, %select_n3A : vector<16xf32>
      %get3A_159 = arith.constant 1 : i32
      %get3A_160 = arith.index_cast %get3A_159 : i32 to index
      %get3A_161 = arith.constant 0 : index
      %get3A_162 = tpu.vector_load %arg7[%get3A_160, %get3A_161] {strides = array<i32>} : memref<4x256xf32, #tpu.memory_space<vmem>>, vector<16xf32>,
      %get3A_163 = arith.constant 0 : index
      %get3A_164 = tpu.vector_load %arg6[%get3A_163] {strides = array<i32>} : memref<256xf32, #tpu.memory_space<vmem>>, vector<16xf32>,
      %mul3A_165 = arith.mulf %get3A_162, %get3A_164 : vector<16xf32>
      %get3A_166 = arith.constant 1 : i32
      %get3A_167 = arith.index_cast %get3A_166 : i32 to index
      %get3A_168 = arith.constant 16 : index
      %get3A_169 = tpu.vector_load %arg7[%get3A_167, %get3A_168] {strides = array<i32>} : memref<4x256xf32, #tpu.memory_space<vmem>>, vector<16xf32>,
      %get3A_170 = arith.constant 16 : index
      %get3A_171 = tpu.vector_load %arg6[%get3A_170] {strides = array<i32>} : memref<256xf32, #tpu.memory_space<vmem>>, vector<16xf32>,
      %mul3A_172 = arith.mulf %get3A_169, %get3A_171 : vector<16xf32>
      %add3A_173 = arith.addf %mul3A_165, %mul3A_172 : vector<16xf32>
      %get3A_174 = arith.constant 1 : i32
      %get3A_175 = arith.index_cast %get3A_174 : i32 to index
      %get3A_176 = arith.constant 32 : index
      %get3A_177 = tpu.vector_load %arg7[%get3A_175, %get3A_176] {strides = array<i32>} : memref<4x256xf32, #tpu.memory_space<vmem>>, vector<16xf32>,
      %get3A_178 = arith.constant 32 : index
      %get3A_179 = tpu.vector_load %arg6[%get3A_178] {strides = array<i32>} : memref<256xf32, #tpu.memory_space<vmem>>, vector<16xf32>,
      %mul3A_180 = arith.mulf %get3A_177, %get3A_179 : vector<16xf32>
      %add3A_181 = arith.addf %add3A_173, %mul3A_180 : vector<16xf32>
      %get3A_182 = arith.constant 1 : i32
      %get3A_183 = arith.index_cast %get3A_182 : i32 to index
      %get3A_184 = arith.constant 48 : index
      %get3A_185 = tpu.vector_load %arg7[%get3A_183, %get3A_184] {strides = array<i32>} : memref<4x256xf32, #tpu.memory_space<vmem>>, vector<16xf32>,
      %get3A_186 = arith.constant 48 : index
      %get3A_187 = tpu.vector_load %arg6[%get3A_186] {strides = array<i32>} : memref<256xf32, #tpu.memory_space<vmem>>, vector<16xf32>,
      %mul3A_188 = arith.mulf %get3A_185, %get3A_187 : vector<16xf32>
      %add3A_189 = arith.addf %add3A_181, %mul3A_188 : vector<16xf32>
      %get3A_190 = arith.constant 1 : i32
      %get3A_191 = arith.index_cast %get3A_190 : i32 to index
      %get3A_192 = arith.constant 64 : index
      %get3A_193 = tpu.vector_load %arg7[%get3A_191, %get3A_192] {strides = array<i32>} : memref<4x256xf32, #tpu.memory_space<vmem>>, vector<16xf32>,
      %get3A_194 = arith.constant 64 : index
      %get3A_195 = tpu.vector_load %arg6[%get3A_194] {strides = array<i32>} : memref<256xf32, #tpu.memory_space<vmem>>, vector<16xf32>,
      %mul3A_196 = arith.mulf %get3A_193, %get3A_195 : vector<16xf32>
      %add3A_197 = arith.addf %add3A_189, %mul3A_196 : vector<16xf32>
      %get3A_198 = arith.constant 1 : i32
      %get3A_199 = arith.index_cast %get3A_198 : i32 to index
      %get3A_200 = arith.constant 80 : index
      %get3A_201 = tpu.vector_load %arg7[%get3A_199, %get3A_200] {strides = array<i32>} : memref<4x256xf32, #tpu.memory_space<vmem>>, vector<16xf32>,
      %get3A_202 = arith.constant 80 : index
      %get3A_203 = tpu.vector_load %arg6[%get3A_202] {strides = array<i32>} : memref<256xf32, #tpu.memory_space<vmem>>, vector<16xf32>,
      %mul3A_204 = arith.mulf %get3A_201, %get3A_203 : vector<16xf32>
      %add3A_205 = arith.addf %add3A_197, %mul3A_204 : vector<16xf32>
      %get3A_206 = arith.constant 1 : i32
      %get3A_207 = arith.index_cast %get3A_206 : i32 to index
      %get3A_208 = arith.constant 96 : index
      %get3A_209 = tpu.vector_load %arg7[%get3A_207, %get3A_208] {strides = array<i32>} : memref<4x256xf32, #tpu.memory_space<vmem>>, vector<16xf32>,
      %get3A_210 = arith.constant 96 : index
      %get3A_211 = tpu.vector_load %arg6[%get3A_210] {strides = array<i32>} : memref<256xf32, #tpu.memory_space<vmem>>, vector<16xf32>,
      %mul3A_212 = arith.mulf %get3A_209, %get3A_211 : vector<16xf32>
      %add3A_213 = arith.addf %add3A_205, %mul3A_212 : vector<16xf32>
      %get3A_214 = arith.constant 1 : i32
      %get3A_215 = arith.index_cast %get3A_214 : i32 to index
      %get3A_216 = arith.constant 112 : index
      %get3A_217 = tpu.vector_load %arg7[%get3A_215, %get3A_216] {strides = array<i32>} : memref<4x256xf32, #tpu.memory_space<vmem>>, vector<16xf32>,
      %get3A_218 = arith.constant 112 : index
      %get3A_219 = tpu.vector_load %arg6[%get3A_218] {strides = array<i32>} : memref<256xf32, #tpu.memory_space<vmem>>, vector<16xf32>,
      %mul3A_220 = arith.mulf %get3A_217, %get3A_219 : vector<16xf32>
      %add3A_221 = arith.addf %add3A_213, %mul3A_220 : vector<16xf32>
      %get3A_222 = arith.constant 1 : i32
      %get3A_223 = arith.index_cast %get3A_222 : i32 to index
      %get3A_224 = arith.constant 128 : index
      %get3A_225 = tpu.vector_load %arg7[%get3A_223, %get3A_224] {strides = array<i32>} : memref<4x256xf32, #tpu.memory_space<vmem>>, vector<16xf32>,
      %get3A_226 = arith.constant 128 : index
      %get3A_227 = tpu.vector_load %arg6[%get3A_226] {strides = array<i32>} : memref<256xf32, #tpu.memory_space<vmem>>, vector<16xf32>,
      %mul3A_228 = arith.mulf %get3A_225, %get3A_227 : vector<16xf32>
      %add3A_229 = arith.addf %add3A_221, %mul3A_228 : vector<16xf32>
      %get3A_230 = arith.constant 1 : i32
      %get3A_231 = arith.index_cast %get3A_230 : i32 to index
      %get3A_232 = arith.constant 144 : index
      %get3A_233 = tpu.vector_load %arg7[%get3A_231, %get3A_232] {strides = array<i32>} : memref<4x256xf32, #tpu.memory_space<vmem>>, vector<16xf32>,
      %get3A_234 = arith.constant 144 : index
      %get3A_235 = tpu.vector_load %arg6[%get3A_234] {strides = array<i32>} : memref<256xf32, #tpu.memory_space<vmem>>, vector<16xf32>,
      %mul3A_236 = arith.mulf %get3A_233, %get3A_235 : vector<16xf32>
      %add3A_237 = arith.addf %add3A_229, %mul3A_236 : vector<16xf32>
      %get3A_238 = arith.constant 1 : i32
      %get3A_239 = arith.index_cast %get3A_238 : i32 to index
      %get3A_240 = arith.constant 160 : index
      %get3A_241 = tpu.vector_load %arg7[%get3A_239, %get3A_240] {strides = array<i32>} : memref<4x256xf32, #tpu.memory_space<vmem>>, vector<16xf32>,
      %get3A_242 = arith.constant 160 : index
      %get3A_243 = tpu.vector_load %arg6[%get3A_242] {strides = array<i32>} : memref<256xf32, #tpu.memory_space<vmem>>, vector<16xf32>,
      %mul3A_244 = arith.mulf %get3A_241, %get3A_243 : vector<16xf32>
      %add3A_245 = arith.addf %add3A_237, %mul3A_244 : vector<16xf32>
      %get3A_246 = arith.constant 1 : i32
      %get3A_247 = arith.index_cast %get3A_246 : i32 to index
      %get3A_248 = arith.constant 176 : index
      %get3A_249 = tpu.vector_load %arg7[%get3A_247, %get3A_248] {strides = array<i32>} : memref<4x256xf32, #tpu.memory_space<vmem>>, vector<16xf32>,
      %get3A_250 = arith.constant 176 : index
      %get3A_251 = tpu.vector_load %arg6[%get3A_250] {strides = array<i32>} : memref<256xf32, #tpu.memory_space<vmem>>, vector<16xf32>,
      %mul3A_252 = arith.mulf %get3A_249, %get3A_251 : vector<16xf32>
      %add3A_253 = arith.addf %add3A_245, %mul3A_252 : vector<16xf32>
      %get3A_254 = arith.constant 1 : i32
      %get3A_255 = arith.index_cast %get3A_254 : i32 to index
      %get3A_256 = arith.constant 192 : index
      %get3A_257 = tpu.vector_load %arg7[%get3A_255, %get3A_256] {strides = array<i32>} : memref<4x256xf32, #tpu.memory_space<vmem>>, vector<16xf32>,
      %get3A_258 = arith.constant 192 : index
      %get3A_259 = tpu.vector_load %arg6[%get3A_258] {strides = array<i32>} : memref<256xf32, #tpu.memory_space<vmem>>, vector<16xf32>,
      %mul3A_260 = arith.mulf %get3A_257, %get3A_259 : vector<16xf32>
      %add3A_261 = arith.addf %add3A_253, %mul3A_260 : vector<16xf32>
      %get3A_262 = arith.constant 1 : i32
      %get3A_263 = arith.index_cast %get3A_262 : i32 to index
      %get3A_264 = arith.constant 208 : index
      %get3A_265 = tpu.vector_load %arg7[%get3A_263, %get3A_264] {strides = array<i32>} : memref<4x256xf32, #tpu.memory_space<vmem>>, vector<16xf32>,
      %get3A_266 = arith.constant 208 : index
      %get3A_267 = tpu.vector_load %arg6[%get3A_266] {strides = array<i32>} : memref<256xf32, #tpu.memory_space<vmem>>, vector<16xf32>,
      %mul3A_268 = arith.mulf %get3A_265, %get3A_267 : vector<16xf32>
      %add3A_269 = arith.addf %add3A_261, %mul3A_268 : vector<16xf32>
      %get3A_270 = arith.constant 1 : i32
      %get3A_271 = arith.index_cast %get3A_270 : i32 to index
      %get3A_272 = arith.constant 224 : index
      %get3A_273 = tpu.vector_load %arg7[%get3A_271, %get3A_272] {strides = array<i32>} : memref<4x256xf32, #tpu.memory_space<vmem>>, vector<16xf32>,
      %get3A_274 = arith.constant 224 : index
      %get3A_275 = tpu.vector_load %arg6[%get3A_274] {strides = array<i32>} : memref<256xf32, #tpu.memory_space<vmem>>, vector<16xf32>,
      %mul3A_276 = arith.mulf %get3A_273, %get3A_275 : vector<16xf32>
      %add3A_277 = arith.addf %add3A_269, %mul3A_276 : vector<16xf32>
      %get3A_278 = arith.constant 1 : i32
      %get3A_279 = arith.index_cast %get3A_278 : i32 to index
      %get3A_280 = arith.constant 240 : index
      %get3A_281 = tpu.vector_load %arg7[%get3A_279, %get3A_280] {strides = array<i32>} : memref<4x256xf32, #tpu.memory_space<vmem>>, vector<16xf32>,
      %get3A_282 = arith.constant 240 : index
      %get3A_283 = tpu.vector_load %arg6[%get3A_282] {strides = array<i32>} : memref<256xf32, #tpu.memory_space<vmem>>, vector<16xf32>,
      %mul3A_284 = arith.mulf %get3A_281, %get3A_283 : vector<16xf32>
      %add3A_285 = arith.addf %add3A_277, %mul3A_284 : vector<16xf32>
      %eq3A_286 = arith.constant 1 : i32
      %eq3A_287 = vector.broadcast %eq3A_286 : i32 to vector<16xi32>
      %eq3A_288 = arith.cmpi eq, %iota3A, %eq3A_287 : vector<16xi32>
      %swap3A_289 = arith.constant 0 : index
      %swap3A_290 = tpu.vector_load %arg10[%swap3A_289] {strides = array<i32>} : memref<16xf32, #tpu.memory_space<vmem>>, vector<16xf32>,
      tpu.vector_store %arg10[%swap3A_289], %add3A_285 {strides = array<i32>} : memref<16xf32, #tpu.memory_space<vmem>>, vector<16xf32>,
      %xor3A_291 = arith.constant 8 : i32
      %xor3A_292 = vector.broadcast %xor3A_291 : i32 to vector<16xi32>
      %xor3A_293 = arith.xori %iota3A, %xor3A_292 : vector<16xi32>
      %gather3A_294 = tpu.vector_load_idx %arg10[%xor3A_293] : memref<16xf32, #tpu.memory_space<vmem>>[vector<16xi32>], vector<16xf32>,
      %add3A_295 = arith.addf %add3A_285, %gather3A_294 : vector<16xf32>
      %swap3A_296 = arith.constant 0 : index
      %swap3A_297 = tpu.vector_load %arg10[%swap3A_296] {strides = array<i32>} : memref<16xf32, #tpu.memory_space<vmem>>, vector<16xf32>,
      tpu.vector_store %arg10[%swap3A_296], %add3A_295 {strides = array<i32>} : memref<16xf32, #tpu.memory_space<vmem>>, vector<16xf32>,
      %xor3A_298 = arith.constant 4 : i32
      %xor3A_299 = vector.broadcast %xor3A_298 : i32 to vector<16xi32>
      %xor3A_300 = arith.xori %iota3A, %xor3A_299 : vector<16xi32>
      %gather3A_301 = tpu.vector_load_idx %arg10[%xor3A_300] : memref<16xf32, #tpu.memory_space<vmem>>[vector<16xi32>], vector<16xf32>,
      %add3A_302 = arith.addf %add3A_295, %gather3A_301 : vector<16xf32>
      %swap3A_303 = arith.constant 0 : index
      %swap3A_304 = tpu.vector_load %arg10[%swap3A_303] {strides = array<i32>} : memref<16xf32, #tpu.memory_space<vmem>>, vector<16xf32>,
      tpu.vector_store %arg10[%swap3A_303], %add3A_302 {strides = array<i32>} : memref<16xf32, #tpu.memory_space<vmem>>, vector<16xf32>,
      %xor3A_305 = arith.constant 2 : i32
      %xor3A_306 = vector.broadcast %xor3A_305 : i32 to vector<16xi32>
      %xor3A_307 = arith.xori %iota3A, %xor3A_306 : vector<16xi32>
      %gather3A_308 = tpu.vector_load_idx %arg10[%xor3A_307] : memref<16xf32, #tpu.memory_space<vmem>>[vector<16xi32>], vector<16xf32>,
      %add3A_309 = arith.addf %add3A_302, %gather3A_308 : vector<16xf32>
      %swap3A_310 = arith.constant 0 : index
      %swap3A_311 = tpu.vector_load %arg10[%swap3A_310] {strides = array<i32>} : memref<16xf32, #tpu.memory_space<vmem>>, vector<16xf32>,
      tpu.vector_store %arg10[%swap3A_310], %add3A_309 {strides = array<i32>} : memref<16xf32, #tpu.memory_space<vmem>>, vector<16xf32>,
      %xor3A_312 = arith.constant 1 : i32
      %xor3A_313 = vector.broadcast %xor3A_312 : i32 to vector<16xi32>
      %xor3A_314 = arith.xori %iota3A, %xor3A_313 : vector<16xi32>
      %gather3A_315 = tpu.vector_load_idx %arg10[%xor3A_314] : memref<16xf32, #tpu.memory_space<vmem>>[vector<16xi32>], vector<16xf32>,
      %add3A_316 = arith.addf %add3A_309, %gather3A_315 : vector<16xf32>
      %jit3A_317 = arith.constant 0.000000e+00 : f32
      %broadcast_in_dim3A_318 = vector.broadcast %jit3A_317 : f32 to vector<16xf32>
      %select_n3A_319 = arith.select %eq3A_288, %add3A_316, %broadcast_in_dim3A_318 : vector<16xi1>, vector<16xf32>
      %add3A_320 = arith.addf %add3A_158, %select_n3A_319 : vector<16xf32>
      %get3A_321 = arith.constant 2 : i32
      %get3A_322 = arith.index_cast %get3A_321 : i32 to index
      %get3A_323 = arith.constant 0 : index
      %get3A_324 = tpu.vector_load %arg7[%get3A_322, %get3A_323] {strides = array<i32>} : memref<4x256xf32, #tpu.memory_space<vmem>>, vector<16xf32>,
      %get3A_325 = arith.constant 0 : index
      %get3A_326 = tpu.vector_load %arg6[%get3A_325] {strides = array<i32>} : memref<256xf32, #tpu.memory_space<vmem>>, vector<16xf32>,
      %mul3A_327 = arith.mulf %get3A_324, %get3A_326 : vector<16xf32>
      %get3A_328 = arith.constant 2 : i32
      %get3A_329 = arith.index_cast %get3A_328 : i32 to index
      %get3A_330 = arith.constant 16 : index
      %get3A_331 = tpu.vector_load %arg7[%get3A_329, %get3A_330] {strides = array<i32>} : memref<4x256xf32, #tpu.memory_space<vmem>>, vector<16xf32>,
      %get3A_332 = arith.constant 16 : index
      %get3A_333 = tpu.vector_load %arg6[%get3A_332] {strides = array<i32>} : memref<256xf32, #tpu.memory_space<vmem>>, vector<16xf32>,
      %mul3A_334 = arith.mulf %get3A_331, %get3A_333 : vector<16xf32>
      %add3A_335 = arith.addf %mul3A_327, %mul3A_334 : vector<16xf32>
      %get3A_336 = arith.constant 2 : i32
      %get3A_337 = arith.index_cast %get3A_336 : i32 to index
      %get3A_338 = arith.constant 32 : index
      %get3A_339 = tpu.vector_load %arg7[%get3A_337, %get3A_338] {strides = array<i32>} : memref<4x256xf32, #tpu.memory_space<vmem>>, vector<16xf32>,
      %get3A_340 = arith.constant 32 : index
      %get3A_341 = tpu.vector_load %arg6[%get3A_340] {strides = array<i32>} : memref<256xf32, #tpu.memory_space<vmem>>, vector<16xf32>,
      %mul3A_342 = arith.mulf %get3A_339, %get3A_341 : vector<16xf32>
      %add3A_343 = arith.addf %add3A_335, %mul3A_342 : vector<16xf32>
      %get3A_344 = arith.constant 2 : i32
      %get3A_345 = arith.index_cast %get3A_344 : i32 to index
      %get3A_346 = arith.constant 48 : index
      %get3A_347 = tpu.vector_load %arg7[%get3A_345, %get3A_346] {strides = array<i32>} : memref<4x256xf32, #tpu.memory_space<vmem>>, vector<16xf32>,
      %get3A_348 = arith.constant 48 : index
      %get3A_349 = tpu.vector_load %arg6[%get3A_348] {strides = array<i32>} : memref<256xf32, #tpu.memory_space<vmem>>, vector<16xf32>,
      %mul3A_350 = arith.mulf %get3A_347, %get3A_349 : vector<16xf32>
      %add3A_351 = arith.addf %add3A_343, %mul3A_350 : vector<16xf32>
      %get3A_352 = arith.constant 2 : i32
      %get3A_353 = arith.index_cast %get3A_352 : i32 to index
      %get3A_354 = arith.constant 64 : index
      %get3A_355 = tpu.vector_load %arg7[%get3A_353, %get3A_354] {strides = array<i32>} : memref<4x256xf32, #tpu.memory_space<vmem>>, vector<16xf32>,
      %get3A_356 = arith.constant 64 : index
      %get3A_357 = tpu.vector_load %arg6[%get3A_356] {strides = array<i32>} : memref<256xf32, #tpu.memory_space<vmem>>, vector<16xf32>,
      %mul3A_358 = arith.mulf %get3A_355, %get3A_357 : vector<16xf32>
      %add3A_359 = arith.addf %add3A_351, %mul3A_358 : vector<16xf32>
      %get3A_360 = arith.constant 2 : i32
      %get3A_361 = arith.index_cast %get3A_360 : i32 to index
      %get3A_362 = arith.constant 80 : index
      %get3A_363 = tpu.vector_load %arg7[%get3A_361, %get3A_362] {strides = array<i32>} : memref<4x256xf32, #tpu.memory_space<vmem>>, vector<16xf32>,
      %get3A_364 = arith.constant 80 : index
      %get3A_365 = tpu.vector_load %arg6[%get3A_364] {strides = array<i32>} : memref<256xf32, #tpu.memory_space<vmem>>, vector<16xf32>,
      %mul3A_366 = arith.mulf %get3A_363, %get3A_365 : vector<16xf32>
      %add3A_367 = arith.addf %add3A_359, %mul3A_366 : vector<16xf32>
      %get3A_368 = arith.constant 2 : i32
      %get3A_369 = arith.index_cast %get3A_368 : i32 to index
      %get3A_370 = arith.constant 96 : index
      %get3A_371 = tpu.vector_load %arg7[%get3A_369, %get3A_370] {strides = array<i32>} : memref<4x256xf32, #tpu.memory_space<vmem>>, vector<16xf32>,
      %get3A_372 = arith.constant 96 : index
      %get3A_373 = tpu.vector_load %arg6[%get3A_372] {strides = array<i32>} : memref<256xf32, #tpu.memory_space<vmem>>, vector<16xf32>,
      %mul3A_374 = arith.mulf %get3A_371, %get3A_373 : vector<16xf32>
      %add3A_375 = arith.addf %add3A_367, %mul3A_374 : vector<16xf32>
      %get3A_376 = arith.constant 2 : i32
      %get3A_377 = arith.index_cast %get3A_376 : i32 to index
      %get3A_378 = arith.constant 112 : index
      %get3A_379 = tpu.vector_load %arg7[%get3A_377, %get3A_378] {strides = array<i32>} : memref<4x256xf32, #tpu.memory_space<vmem>>, vector<16xf32>,
      %get3A_380 = arith.constant 112 : index
      %get3A_381 = tpu.vector_load %arg6[%get3A_380] {strides = array<i32>} : memref<256xf32, #tpu.memory_space<vmem>>, vector<16xf32>,
      %mul3A_382 = arith.mulf %get3A_379, %get3A_381 : vector<16xf32>
      %add3A_383 = arith.addf %add3A_375, %mul3A_382 : vector<16xf32>
      %get3A_384 = arith.constant 2 : i32
      %get3A_385 = arith.index_cast %get3A_384 : i32 to index
      %get3A_386 = arith.constant 128 : index
      %get3A_387 = tpu.vector_load %arg7[%get3A_385, %get3A_386] {strides = array<i32>} : memref<4x256xf32, #tpu.memory_space<vmem>>, vector<16xf32>,
      %get3A_388 = arith.constant 128 : index
      %get3A_389 = tpu.vector_load %arg6[%get3A_388] {strides = array<i32>} : memref<256xf32, #tpu.memory_space<vmem>>, vector<16xf32>,
      %mul3A_390 = arith.mulf %get3A_387, %get3A_389 : vector<16xf32>
      %add3A_391 = arith.addf %add3A_383, %mul3A_390 : vector<16xf32>
      %get3A_392 = arith.constant 2 : i32
      %get3A_393 = arith.index_cast %get3A_392 : i32 to index
      %get3A_394 = arith.constant 144 : index
      %get3A_395 = tpu.vector_load %arg7[%get3A_393, %get3A_394] {strides = array<i32>} : memref<4x256xf32, #tpu.memory_space<vmem>>, vector<16xf32>,
      %get3A_396 = arith.constant 144 : index
      %get3A_397 = tpu.vector_load %arg6[%get3A_396] {strides = array<i32>} : memref<256xf32, #tpu.memory_space<vmem>>, vector<16xf32>,
      %mul3A_398 = arith.mulf %get3A_395, %get3A_397 : vector<16xf32>
      %add3A_399 = arith.addf %add3A_391, %mul3A_398 : vector<16xf32>
      %get3A_400 = arith.constant 2 : i32
      %get3A_401 = arith.index_cast %get3A_400 : i32 to index
      %get3A_402 = arith.constant 160 : index
      %get3A_403 = tpu.vector_load %arg7[%get3A_401, %get3A_402] {strides = array<i32>} : memref<4x256xf32, #tpu.memory_space<vmem>>, vector<16xf32>,
      %get3A_404 = arith.constant 160 : index
      %get3A_405 = tpu.vector_load %arg6[%get3A_404] {strides = array<i32>} : memref<256xf32, #tpu.memory_space<vmem>>, vector<16xf32>,
      %mul3A_406 = arith.mulf %get3A_403, %get3A_405 : vector<16xf32>
      %add3A_407 = arith.addf %add3A_399, %mul3A_406 : vector<16xf32>
      %get3A_408 = arith.constant 2 : i32
      %get3A_409 = arith.index_cast %get3A_408 : i32 to index
      %get3A_410 = arith.constant 176 : index
      %get3A_411 = tpu.vector_load %arg7[%get3A_409, %get3A_410] {strides = array<i32>} : memref<4x256xf32, #tpu.memory_space<vmem>>, vector<16xf32>,
      %get3A_412 = arith.constant 176 : index
      %get3A_413 = tpu.vector_load %arg6[%get3A_412] {strides = array<i32>} : memref<256xf32, #tpu.memory_space<vmem>>, vector<16xf32>,
      %mul3A_414 = arith.mulf %get3A_411, %get3A_413 : vector<16xf32>
      %add3A_415 = arith.addf %add3A_407, %mul3A_414 : vector<16xf32>
      %get3A_416 = arith.constant 2 : i32
      %get3A_417 = arith.index_cast %get3A_416 : i32 to index
      %get3A_418 = arith.constant 192 : index
      %get3A_419 = tpu.vector_load %arg7[%get3A_417, %get3A_418] {strides = array<i32>} : memref<4x256xf32, #tpu.memory_space<vmem>>, vector<16xf32>,
      %get3A_420 = arith.constant 192 : index
      %get3A_421 = tpu.vector_load %arg6[%get3A_420] {strides = array<i32>} : memref<256xf32, #tpu.memory_space<vmem>>, vector<16xf32>,
      %mul3A_422 = arith.mulf %get3A_419, %get3A_421 : vector<16xf32>
      %add3A_423 = arith.addf %add3A_415, %mul3A_422 : vector<16xf32>
      %get3A_424 = arith.constant 2 : i32
      %get3A_425 = arith.index_cast %get3A_424 : i32 to index
      %get3A_426 = arith.constant 208 : index
      %get3A_427 = tpu.vector_load %arg7[%get3A_425, %get3A_426] {strides = array<i32>} : memref<4x256xf32, #tpu.memory_space<vmem>>, vector<16xf32>,
      %get3A_428 = arith.constant 208 : index
      %get3A_429 = tpu.vector_load %arg6[%get3A_428] {strides = array<i32>} : memref<256xf32, #tpu.memory_space<vmem>>, vector<16xf32>,
      %mul3A_430 = arith.mulf %get3A_427, %get3A_429 : vector<16xf32>
      %add3A_431 = arith.addf %add3A_423, %mul3A_430 : vector<16xf32>
      %get3A_432 = arith.constant 2 : i32
      %get3A_433 = arith.index_cast %get3A_432 : i32 to index
      %get3A_434 = arith.constant 224 : index
      %get3A_435 = tpu.vector_load %arg7[%get3A_433, %get3A_434] {strides = array<i32>} : memref<4x256xf32, #tpu.memory_space<vmem>>, vector<16xf32>,
      %get3A_436 = arith.constant 224 : index
      %get3A_437 = tpu.vector_load %arg6[%get3A_436] {strides = array<i32>} : memref<256xf32, #tpu.memory_space<vmem>>, vector<16xf32>,
      %mul3A_438 = arith.mulf %get3A_435, %get3A_437 : vector<16xf32>
      %add3A_439 = arith.addf %add3A_431, %mul3A_438 : vector<16xf32>
      %get3A_440 = arith.constant 2 : i32
      %get3A_441 = arith.index_cast %get3A_440 : i32 to index
      %get3A_442 = arith.constant 240 : index
      %get3A_443 = tpu.vector_load %arg7[%get3A_441, %get3A_442] {strides = array<i32>} : memref<4x256xf32, #tpu.memory_space<vmem>>, vector<16xf32>,
      %get3A_444 = arith.constant 240 : index
      %get3A_445 = tpu.vector_load %arg6[%get3A_444] {strides = array<i32>} : memref<256xf32, #tpu.memory_space<vmem>>, vector<16xf32>,
      %mul3A_446 = arith.mulf %get3A_443, %get3A_445 : vector<16xf32>
      %add3A_447 = arith.addf %add3A_439, %mul3A_446 : vector<16xf32>
      %eq3A_448 = arith.constant 2 : i32
      %eq3A_449 = vector.broadcast %eq3A_448 : i32 to vector<16xi32>
      %eq3A_450 = arith.cmpi eq, %iota3A, %eq3A_449 : vector<16xi32>
      %swap3A_451 = arith.constant 0 : index
      %swap3A_452 = tpu.vector_load %arg10[%swap3A_451] {strides = array<i32>} : memref<16xf32, #tpu.memory_space<vmem>>, vector<16xf32>,
      tpu.vector_store %arg10[%swap3A_451], %add3A_447 {strides = array<i32>} : memref<16xf32, #tpu.memory_space<vmem>>, vector<16xf32>,
      %xor3A_453 = arith.constant 8 : i32
      %xor3A_454 = vector.broadcast %xor3A_453 : i32 to vector<16xi32>
      %xor3A_455 = arith.xori %iota3A, %xor3A_454 : vector<16xi32>
      %gather3A_456 = tpu.vector_load_idx %arg10[%xor3A_455] : memref<16xf32, #tpu.memory_space<vmem>>[vector<16xi32>], vector<16xf32>,
      %add3A_457 = arith.addf %add3A_447, %gather3A_456 : vector<16xf32>
      %swap3A_458 = arith.constant 0 : index
      %swap3A_459 = tpu.vector_load %arg10[%swap3A_458] {strides = array<i32>} : memref<16xf32, #tpu.memory_space<vmem>>, vector<16xf32>,
      tpu.vector_store %arg10[%swap3A_458], %add3A_457 {strides = array<i32>} : memref<16xf32, #tpu.memory_space<vmem>>, vector<16xf32>,
      %xor3A_460 = arith.constant 4 : i32
      %xor3A_461 = vector.broadcast %xor3A_460 : i32 to vector<16xi32>
      %xor3A_462 = arith.xori %iota3A, %xor3A_461 : vector<16xi32>
      %gather3A_463 = tpu.vector_load_idx %arg10[%xor3A_462] : memref<16xf32, #tpu.memory_space<vmem>>[vector<16xi32>], vector<16xf32>,
      %add3A_464 = arith.addf %add3A_457, %gather3A_463 : vector<16xf32>
      %swap3A_465 = arith.constant 0 : index
      %swap3A_466 = tpu.vector_load %arg10[%swap3A_465] {strides = array<i32>} : memref<16xf32, #tpu.memory_space<vmem>>, vector<16xf32>,
      tpu.vector_store %arg10[%swap3A_465], %add3A_464 {strides = array<i32>} : memref<16xf32, #tpu.memory_space<vmem>>, vector<16xf32>,
      %xor3A_467 = arith.constant 2 : i32
      %xor3A_468 = vector.broadcast %xor3A_467 : i32 to vector<16xi32>
      %xor3A_469 = arith.xori %iota3A, %xor3A_468 : vector<16xi32>
      %gather3A_470 = tpu.vector_load_idx %arg10[%xor3A_469] : memref<16xf32, #tpu.memory_space<vmem>>[vector<16xi32>], vector<16xf32>,
      %add3A_471 = arith.addf %add3A_464, %gather3A_470 : vector<16xf32>
      %swap3A_472 = arith.constant 0 : index
      %swap3A_473 = tpu.vector_load %arg10[%swap3A_472] {strides = array<i32>} : memref<16xf32, #tpu.memory_space<vmem>>, vector<16xf32>,
      tpu.vector_store %arg10[%swap3A_472], %add3A_471 {strides = array<i32>} : memref<16xf32, #tpu.memory_space<vmem>>, vector<16xf32>,
      %xor3A_474 = arith.constant 1 : i32
      %xor3A_475 = vector.broadcast %xor3A_474 : i32 to vector<16xi32>
      %xor3A_476 = arith.xori %iota3A, %xor3A_475 : vector<16xi32>
      %gather3A_477 = tpu.vector_load_idx %arg10[%xor3A_476] : memref<16xf32, #tpu.memory_space<vmem>>[vector<16xi32>], vector<16xf32>,
      %add3A_478 = arith.addf %add3A_471, %gather3A_477 : vector<16xf32>
      %jit3A_479 = arith.constant 0.000000e+00 : f32
      %broadcast_in_dim3A_480 = vector.broadcast %jit3A_479 : f32 to vector<16xf32>
      %select_n3A_481 = arith.select %eq3A_450, %add3A_478, %broadcast_in_dim3A_480 : vector<16xi1>, vector<16xf32>
      %add3A_482 = arith.addf %add3A_320, %select_n3A_481 : vector<16xf32>
      %get3A_483 = arith.constant 3 : i32
      %get3A_484 = arith.index_cast %get3A_483 : i32 to index
      %get3A_485 = arith.constant 0 : index
      %get3A_486 = tpu.vector_load %arg7[%get3A_484, %get3A_485] {strides = array<i32>} : memref<4x256xf32, #tpu.memory_space<vmem>>, vector<16xf32>,
      %get3A_487 = arith.constant 0 : index
      %get3A_488 = tpu.vector_load %arg6[%get3A_487] {strides = array<i32>} : memref<256xf32, #tpu.memory_space<vmem>>, vector<16xf32>,
      %mul3A_489 = arith.mulf %get3A_486, %get3A_488 : vector<16xf32>
      %get3A_490 = arith.constant 3 : i32
      %get3A_491 = arith.index_cast %get3A_490 : i32 to index
      %get3A_492 = arith.constant 16 : index
      %get3A_493 = tpu.vector_load %arg7[%get3A_491, %get3A_492] {strides = array<i32>} : memref<4x256xf32, #tpu.memory_space<vmem>>, vector<16xf32>,
      %get3A_494 = arith.constant 16 : index
      %get3A_495 = tpu.vector_load %arg6[%get3A_494] {strides = array<i32>} : memref<256xf32, #tpu.memory_space<vmem>>, vector<16xf32>,
      %mul3A_496 = arith.mulf %get3A_493, %get3A_495 : vector<16xf32>
      %add3A_497 = arith.addf %mul3A_489, %mul3A_496 : vector<16xf32>
      %get3A_498 = arith.constant 3 : i32
      %get3A_499 = arith.index_cast %get3A_498 : i32 to index
      %get3A_500 = arith.constant 32 : index
      %get3A_501 = tpu.vector_load %arg7[%get3A_499, %get3A_500] {strides = array<i32>} : memref<4x256xf32, #tpu.memory_space<vmem>>, vector<16xf32>,
      %get3A_502 = arith.constant 32 : index
      %get3A_503 = tpu.vector_load %arg6[%get3A_502] {strides = array<i32>} : memref<256xf32, #tpu.memory_space<vmem>>, vector<16xf32>,
      %mul3A_504 = arith.mulf %get3A_501, %get3A_503 : vector<16xf32>
      %add3A_505 = arith.addf %add3A_497, %mul3A_504 : vector<16xf32>
      %get3A_506 = arith.constant 3 : i32
      %get3A_507 = arith.index_cast %get3A_506 : i32 to index
      %get3A_508 = arith.constant 48 : index
      %get3A_509 = tpu.vector_load %arg7[%get3A_507, %get3A_508] {strides = array<i32>} : memref<4x256xf32, #tpu.memory_space<vmem>>, vector<16xf32>,
      %get3A_510 = arith.constant 48 : index
      %get3A_511 = tpu.vector_load %arg6[%get3A_510] {strides = array<i32>} : memref<256xf32, #tpu.memory_space<vmem>>, vector<16xf32>,
      %mul3A_512 = arith.mulf %get3A_509, %get3A_511 : vector<16xf32>
      %add3A_513 = arith.addf %add3A_505, %mul3A_512 : vector<16xf32>
      %get3A_514 = arith.constant 3 : i32
      %get3A_515 = arith.index_cast %get3A_514 : i32 to index
      %get3A_516 = arith.constant 64 : index
      %get3A_517 = tpu.vector_load %arg7[%get3A_515, %get3A_516] {strides = array<i32>} : memref<4x256xf32, #tpu.memory_space<vmem>>, vector<16xf32>,
      %get3A_518 = arith.constant 64 : index
      %get3A_519 = tpu.vector_load %arg6[%get3A_518] {strides = array<i32>} : memref<256xf32, #tpu.memory_space<vmem>>, vector<16xf32>,
      %mul3A_520 = arith.mulf %get3A_517, %get3A_519 : vector<16xf32>
      %add3A_521 = arith.addf %add3A_513, %mul3A_520 : vector<16xf32>
      %get3A_522 = arith.constant 3 : i32
      %get3A_523 = arith.index_cast %get3A_522 : i32 to index
      %get3A_524 = arith.constant 80 : index
      %get3A_525 = tpu.vector_load %arg7[%get3A_523, %get3A_524] {strides = array<i32>} : memref<4x256xf32, #tpu.memory_space<vmem>>, vector<16xf32>,
      %get3A_526 = arith.constant 80 : index
      %get3A_527 = tpu.vector_load %arg6[%get3A_526] {strides = array<i32>} : memref<256xf32, #tpu.memory_space<vmem>>, vector<16xf32>,
      %mul3A_528 = arith.mulf %get3A_525, %get3A_527 : vector<16xf32>
      %add3A_529 = arith.addf %add3A_521, %mul3A_528 : vector<16xf32>
      %get3A_530 = arith.constant 3 : i32
      %get3A_531 = arith.index_cast %get3A_530 : i32 to index
      %get3A_532 = arith.constant 96 : index
      %get3A_533 = tpu.vector_load %arg7[%get3A_531, %get3A_532] {strides = array<i32>} : memref<4x256xf32, #tpu.memory_space<vmem>>, vector<16xf32>,
      %get3A_534 = arith.constant 96 : index
      %get3A_535 = tpu.vector_load %arg6[%get3A_534] {strides = array<i32>} : memref<256xf32, #tpu.memory_space<vmem>>, vector<16xf32>,
      %mul3A_536 = arith.mulf %get3A_533, %get3A_535 : vector<16xf32>
      %add3A_537 = arith.addf %add3A_529, %mul3A_536 : vector<16xf32>
      %get3A_538 = arith.constant 3 : i32
      %get3A_539 = arith.index_cast %get3A_538 : i32 to index
      %get3A_540 = arith.constant 112 : index
      %get3A_541 = tpu.vector_load %arg7[%get3A_539, %get3A_540] {strides = array<i32>} : memref<4x256xf32, #tpu.memory_space<vmem>>, vector<16xf32>,
      %get3A_542 = arith.constant 112 : index
      %get3A_543 = tpu.vector_load %arg6[%get3A_542] {strides = array<i32>} : memref<256xf32, #tpu.memory_space<vmem>>, vector<16xf32>,
      %mul3A_544 = arith.mulf %get3A_541, %get3A_543 : vector<16xf32>
      %add3A_545 = arith.addf %add3A_537, %mul3A_544 : vector<16xf32>
      %get3A_546 = arith.constant 3 : i32
      %get3A_547 = arith.index_cast %get3A_546 : i32 to index
      %get3A_548 = arith.constant 128 : index
      %get3A_549 = tpu.vector_load %arg7[%get3A_547, %get3A_548] {strides = array<i32>} : memref<4x256xf32, #tpu.memory_space<vmem>>, vector<16xf32>,
      %get3A_550 = arith.constant 128 : index
      %get3A_551 = tpu.vector_load %arg6[%get3A_550] {strides = array<i32>} : memref<256xf32, #tpu.memory_space<vmem>>, vector<16xf32>,
      %mul3A_552 = arith.mulf %get3A_549, %get3A_551 : vector<16xf32>
      %add3A_553 = arith.addf %add3A_545, %mul3A_552 : vector<16xf32>
      %get3A_554 = arith.constant 3 : i32
      %get3A_555 = arith.index_cast %get3A_554 : i32 to index
      %get3A_556 = arith.constant 144 : index
      %get3A_557 = tpu.vector_load %arg7[%get3A_555, %get3A_556] {strides = array<i32>} : memref<4x256xf32, #tpu.memory_space<vmem>>, vector<16xf32>,
      %get3A_558 = arith.constant 144 : index
      %get3A_559 = tpu.vector_load %arg6[%get3A_558] {strides = array<i32>} : memref<256xf32, #tpu.memory_space<vmem>>, vector<16xf32>,
      %mul3A_560 = arith.mulf %get3A_557, %get3A_559 : vector<16xf32>
      %add3A_561 = arith.addf %add3A_553, %mul3A_560 : vector<16xf32>
      %get3A_562 = arith.constant 3 : i32
      %get3A_563 = arith.index_cast %get3A_562 : i32 to index
      %get3A_564 = arith.constant 160 : index
      %get3A_565 = tpu.vector_load %arg7[%get3A_563, %get3A_564] {strides = array<i32>} : memref<4x256xf32, #tpu.memory_space<vmem>>, vector<16xf32>,
      %get3A_566 = arith.constant 160 : index
      %get3A_567 = tpu.vector_load %arg6[%get3A_566] {strides = array<i32>} : memref<256xf32, #tpu.memory_space<vmem>>, vector<16xf32>,
      %mul3A_568 = arith.mulf %get3A_565, %get3A_567 : vector<16xf32>
      %add3A_569 = arith.addf %add3A_561, %mul3A_568 : vector<16xf32>
      %get3A_570 = arith.constant 3 : i32
      %get3A_571 = arith.index_cast %get3A_570 : i32 to index
      %get3A_572 = arith.constant 176 : index
      %get3A_573 = tpu.vector_load %arg7[%get3A_571, %get3A_572] {strides = array<i32>} : memref<4x256xf32, #tpu.memory_space<vmem>>, vector<16xf32>,
      %get3A_574 = arith.constant 176 : index
      %get3A_575 = tpu.vector_load %arg6[%get3A_574] {strides = array<i32>} : memref<256xf32, #tpu.memory_space<vmem>>, vector<16xf32>,
      %mul3A_576 = arith.mulf %get3A_573, %get3A_575 : vector<16xf32>
      %add3A_577 = arith.addf %add3A_569, %mul3A_576 : vector<16xf32>
      %get3A_578 = arith.constant 3 : i32
      %get3A_579 = arith.index_cast %get3A_578 : i32 to index
      %get3A_580 = arith.constant 192 : index
      %get3A_581 = tpu.vector_load %arg7[%get3A_579, %get3A_580] {strides = array<i32>} : memref<4x256xf32, #tpu.memory_space<vmem>>, vector<16xf32>,
      %get3A_582 = arith.constant 192 : index
      %get3A_583 = tpu.vector_load %arg6[%get3A_582] {strides = array<i32>} : memref<256xf32, #tpu.memory_space<vmem>>, vector<16xf32>,
      %mul3A_584 = arith.mulf %get3A_581, %get3A_583 : vector<16xf32>
      %add3A_585 = arith.addf %add3A_577, %mul3A_584 : vector<16xf32>
      %get3A_586 = arith.constant 3 : i32
      %get3A_587 = arith.index_cast %get3A_586 : i32 to index
      %get3A_588 = arith.constant 208 : index
      %get3A_589 = tpu.vector_load %arg7[%get3A_587, %get3A_588] {strides = array<i32>} : memref<4x256xf32, #tpu.memory_space<vmem>>, vector<16xf32>,
      %get3A_590 = arith.constant 208 : index
      %get3A_591 = tpu.vector_load %arg6[%get3A_590] {strides = array<i32>} : memref<256xf32, #tpu.memory_space<vmem>>, vector<16xf32>,
      %mul3A_592 = arith.mulf %get3A_589, %get3A_591 : vector<16xf32>
      %add3A_593 = arith.addf %add3A_585, %mul3A_592 : vector<16xf32>
      %get3A_594 = arith.constant 3 : i32
      %get3A_595 = arith.index_cast %get3A_594 : i32 to index
      %get3A_596 = arith.constant 224 : index
      %get3A_597 = tpu.vector_load %arg7[%get3A_595, %get3A_596] {strides = array<i32>} : memref<4x256xf32, #tpu.memory_space<vmem>>, vector<16xf32>,
      %get3A_598 = arith.constant 224 : index
      %get3A_599 = tpu.vector_load %arg6[%get3A_598] {strides = array<i32>} : memref<256xf32, #tpu.memory_space<vmem>>, vector<16xf32>,
      %mul3A_600 = arith.mulf %get3A_597, %get3A_599 : vector<16xf32>
      %add3A_601 = arith.addf %add3A_593, %mul3A_600 : vector<16xf32>
      %get3A_602 = arith.constant 3 : i32
      %get3A_603 = arith.index_cast %get3A_602 : i32 to index
      %get3A_604 = arith.constant 240 : index
      %get3A_605 = tpu.vector_load %arg7[%get3A_603, %get3A_604] {strides = array<i32>} : memref<4x256xf32, #tpu.memory_space<vmem>>, vector<16xf32>,
      %get3A_606 = arith.constant 240 : index
      %get3A_607 = tpu.vector_load %arg6[%get3A_606] {strides = array<i32>} : memref<256xf32, #tpu.memory_space<vmem>>, vector<16xf32>,
      %mul3A_608 = arith.mulf %get3A_605, %get3A_607 : vector<16xf32>
      %add3A_609 = arith.addf %add3A_601, %mul3A_608 : vector<16xf32>
      %eq3A_610 = arith.constant 3 : i32
      %eq3A_611 = vector.broadcast %eq3A_610 : i32 to vector<16xi32>
      %eq3A_612 = arith.cmpi eq, %iota3A, %eq3A_611 : vector<16xi32>
      %swap3A_613 = arith.constant 0 : index
      %swap3A_614 = tpu.vector_load %arg10[%swap3A_613] {strides = array<i32>} : memref<16xf32, #tpu.memory_space<vmem>>, vector<16xf32>,
      tpu.vector_store %arg10[%swap3A_613], %add3A_609 {strides = array<i32>} : memref<16xf32, #tpu.memory_space<vmem>>, vector<16xf32>,
      %xor3A_615 = arith.constant 8 : i32
      %xor3A_616 = vector.broadcast %xor3A_615 : i32 to vector<16xi32>
      %xor3A_617 = arith.xori %iota3A, %xor3A_616 : vector<16xi32>
      %gather3A_618 = tpu.vector_load_idx %arg10[%xor3A_617] : memref<16xf32, #tpu.memory_space<vmem>>[vector<16xi32>], vector<16xf32>,
      %add3A_619 = arith.addf %add3A_609, %gather3A_618 : vector<16xf32>
      %swap3A_620 = arith.constant 0 : index
      %swap3A_621 = tpu.vector_load %arg10[%swap3A_620] {strides = array<i32>} : memref<16xf32, #tpu.memory_space<vmem>>, vector<16xf32>,
      tpu.vector_store %arg10[%swap3A_620], %add3A_619 {strides = array<i32>} : memref<16xf32, #tpu.memory_space<vmem>>, vector<16xf32>,
      %xor3A_622 = arith.constant 4 : i32
      %xor3A_623 = vector.broadcast %xor3A_622 : i32 to vector<16xi32>
      %xor3A_624 = arith.xori %iota3A, %xor3A_623 : vector<16xi32>
      %gather3A_625 = tpu.vector_load_idx %arg10[%xor3A_624] : memref<16xf32, #tpu.memory_space<vmem>>[vector<16xi32>], vector<16xf32>,
      %add3A_626 = arith.addf %add3A_619, %gather3A_625 : vector<16xf32>
      %swap3A_627 = arith.constant 0 : index
      %swap3A_628 = tpu.vector_load %arg10[%swap3A_627] {strides = array<i32>} : memref<16xf32, #tpu.memory_space<vmem>>, vector<16xf32>,
      tpu.vector_store %arg10[%swap3A_627], %add3A_626 {strides = array<i32>} : memref<16xf32, #tpu.memory_space<vmem>>, vector<16xf32>,
      %xor3A_629 = arith.constant 2 : i32
      %xor3A_630 = vector.broadcast %xor3A_629 : i32 to vector<16xi32>
      %xor3A_631 = arith.xori %iota3A, %xor3A_630 : vector<16xi32>
      %gather3A_632 = tpu.vector_load_idx %arg10[%xor3A_631] : memref<16xf32, #tpu.memory_space<vmem>>[vector<16xi32>], vector<16xf32>,
      %add3A_633 = arith.addf %add3A_626, %gather3A_632 : vector<16xf32>
      %swap3A_634 = arith.constant 0 : index
      %swap3A_635 = tpu.vector_load %arg10[%swap3A_634] {strides = array<i32>} : memref<16xf32, #tpu.memory_space<vmem>>, vector<16xf32>,
      tpu.vector_store %arg10[%swap3A_634], %add3A_633 {strides = array<i32>} : memref<16xf32, #tpu.memory_space<vmem>>, vector<16xf32>,
      %xor3A_636 = arith.constant 1 : i32
      %xor3A_637 = vector.broadcast %xor3A_636 : i32 to vector<16xi32>
      %xor3A_638 = arith.xori %iota3A, %xor3A_637 : vector<16xi32>
      %gather3A_639 = tpu.vector_load_idx %arg10[%xor3A_638] : memref<16xf32, #tpu.memory_space<vmem>>[vector<16xi32>], vector<16xf32>,
      %add3A_640 = arith.addf %add3A_633, %gather3A_639 : vector<16xf32>
      %jit3A_641 = arith.constant 0.000000e+00 : f32
      %broadcast_in_dim3A_642 = vector.broadcast %jit3A_641 : f32 to vector<16xf32>
      %select_n3A_643 = arith.select %eq3A_612, %add3A_640, %broadcast_in_dim3A_642 : vector<16xi1>, vector<16xf32>
      %add3A_644 = arith.addf %add3A_482, %select_n3A_643 : vector<16xf32>
      %lt3A = arith.constant 4 : i32
      %lt3A_645 = vector.broadcast %lt3A : i32 to vector<16xi32>
      %lt3A_646 = arith.cmpi slt, %iota3A, %lt3A_645 : vector<16xi32>
      %broadcast_in_dim3A_647 = arith.constant -3.000000e+38 : f32
      %broadcast_in_dim3A_648 = vector.broadcast %broadcast_in_dim3A_647 : f32 to vector<16xf32>
      %select_n3A_649 = arith.select %lt3A_646, %add3A_644, %broadcast_in_dim3A_648 : vector<16xi1>, vector<16xf32>
      %swap3A_650 = arith.constant 0 : index
      %swap3A_651 = tpu.vector_load %arg10[%swap3A_650] {strides = array<i32>} : memref<16xf32, #tpu.memory_space<vmem>>, vector<16xf32>,
      tpu.vector_store %arg10[%swap3A_650], %select_n3A_649 {strides = array<i32>} : memref<16xf32, #tpu.memory_space<vmem>>, vector<16xf32>,
      %xor3A_652 = arith.constant 8 : i32
      %xor3A_653 = vector.broadcast %xor3A_652 : i32 to vector<16xi32>
      %xor3A_654 = arith.xori %iota3A, %xor3A_653 : vector<16xi32>
      %gather3A_655 = tpu.vector_load_idx %arg10[%xor3A_654] : memref<16xf32, #tpu.memory_space<vmem>>[vector<16xi32>], vector<16xf32>,
      %max3A = arith.maximumf %select_n3A_649, %gather3A_655 : vector<16xf32>
      %swap3A_656 = arith.constant 0 : index
      %swap3A_657 = tpu.vector_load %arg10[%swap3A_656] {strides = array<i32>} : memref<16xf32, #tpu.memory_space<vmem>>, vector<16xf32>,
      tpu.vector_store %arg10[%swap3A_656], %max3A {strides = array<i32>} : memref<16xf32, #tpu.memory_space<vmem>>, vector<16xf32>,
      %xor3A_658 = arith.constant 4 : i32
      %xor3A_659 = vector.broadcast %xor3A_658 : i32 to vector<16xi32>
      %xor3A_660 = arith.xori %iota3A, %xor3A_659 : vector<16xi32>
      %gather3A_661 = tpu.vector_load_idx %arg10[%xor3A_660] : memref<16xf32, #tpu.memory_space<vmem>>[vector<16xi32>], vector<16xf32>,
      %max3A_662 = arith.maximumf %max3A, %gather3A_661 : vector<16xf32>
      %swap3A_663 = arith.constant 0 : index
      %swap3A_664 = tpu.vector_load %arg10[%swap3A_663] {strides = array<i32>} : memref<16xf32, #tpu.memory_space<vmem>>, vector<16xf32>,
      tpu.vector_store %arg10[%swap3A_663], %max3A_662 {strides = array<i32>} : memref<16xf32, #tpu.memory_space<vmem>>, vector<16xf32>,
      %xor3A_665 = arith.constant 2 : i32
      %xor3A_666 = vector.broadcast %xor3A_665 : i32 to vector<16xi32>
      %xor3A_667 = arith.xori %iota3A, %xor3A_666 : vector<16xi32>
      %gather3A_668 = tpu.vector_load_idx %arg10[%xor3A_667] : memref<16xf32, #tpu.memory_space<vmem>>[vector<16xi32>], vector<16xf32>,
      %max3A_669 = arith.maximumf %max3A_662, %gather3A_668 : vector<16xf32>
      %swap3A_670 = arith.constant 0 : index
      %swap3A_671 = tpu.vector_load %arg10[%swap3A_670] {strides = array<i32>} : memref<16xf32, #tpu.memory_space<vmem>>, vector<16xf32>,
      tpu.vector_store %arg10[%swap3A_670], %max3A_669 {strides = array<i32>} : memref<16xf32, #tpu.memory_space<vmem>>, vector<16xf32>,
      %xor3A_672 = arith.constant 1 : i32
      %xor3A_673 = vector.broadcast %xor3A_672 : i32 to vector<16xi32>
      %xor3A_674 = arith.xori %iota3A, %xor3A_673 : vector<16xi32>
      %gather3A_675 = tpu.vector_load_idx %arg10[%xor3A_674] : memref<16xf32, #tpu.memory_space<vmem>>[vector<16xi32>], vector<16xf32>,
      %max3A_676 = arith.maximumf %max3A_669, %gather3A_675 : vector<16xf32>
      %sub3A = arith.subf %add3A_644, %max3A_676 : vector<16xf32>
      %exp3A = math.exp %sub3A : vector<16xf32>
      %jit3A_677 = arith.constant 0.000000e+00 : f32
      %broadcast_in_dim3A_678 = vector.broadcast %jit3A_677 : f32 to vector<16xf32>
      %select_n3A_679 = arith.select %lt3A_646, %exp3A, %broadcast_in_dim3A_678 : vector<16xi1>, vector<16xf32>
      %swap3A_680 = arith.constant 0 : index
      %swap3A_681 = tpu.vector_load %arg10[%swap3A_680] {strides = array<i32>} : memref<16xf32, #tpu.memory_space<vmem>>, vector<16xf32>,
      tpu.vector_store %arg10[%swap3A_680], %select_n3A_679 {strides = array<i32>} : memref<16xf32, #tpu.memory_space<vmem>>, vector<16xf32>,
      %xor3A_682 = arith.constant 8 : i32
      %xor3A_683 = vector.broadcast %xor3A_682 : i32 to vector<16xi32>
      %xor3A_684 = arith.xori %iota3A, %xor3A_683 : vector<16xi32>
      %gather3A_685 = tpu.vector_load_idx %arg10[%xor3A_684] : memref<16xf32, #tpu.memory_space<vmem>>[vector<16xi32>], vector<16xf32>,
      %add3A_686 = arith.addf %select_n3A_679, %gather3A_685 : vector<16xf32>
      %swap3A_687 = arith.constant 0 : index
      %swap3A_688 = tpu.vector_load %arg10[%swap3A_687] {strides = array<i32>} : memref<16xf32, #tpu.memory_space<vmem>>, vector<16xf32>,
      tpu.vector_store %arg10[%swap3A_687], %add3A_686 {strides = array<i32>} : memref<16xf32, #tpu.memory_space<vmem>>, vector<16xf32>,
      %xor3A_689 = arith.constant 4 : i32
      %xor3A_690 = vector.broadcast %xor3A_689 : i32 to vector<16xi32>
      %xor3A_691 = arith.xori %iota3A, %xor3A_690 : vector<16xi32>
      %gather3A_692 = tpu.vector_load_idx %arg10[%xor3A_691] : memref<16xf32, #tpu.memory_space<vmem>>[vector<16xi32>], vector<16xf32>,
      %add3A_693 = arith.addf %add3A_686, %gather3A_692 : vector<16xf32>
      %swap3A_694 = arith.constant 0 : index
      %swap3A_695 = tpu.vector_load %arg10[%swap3A_694] {strides = array<i32>} : memref<16xf32, #tpu.memory_space<vmem>>, vector<16xf32>,
      tpu.vector_store %arg10[%swap3A_694], %add3A_693 {strides = array<i32>} : memref<16xf32, #tpu.memory_space<vmem>>, vector<16xf32>,
      %xor3A_696 = arith.constant 2 : i32
      %xor3A_697 = vector.broadcast %xor3A_696 : i32 to vector<16xi32>
      %xor3A_698 = arith.xori %iota3A, %xor3A_697 : vector<16xi32>
      %gather3A_699 = tpu.vector_load_idx %arg10[%xor3A_698] : memref<16xf32, #tpu.memory_space<vmem>>[vector<16xi32>], vector<16xf32>,
      %add3A_700 = arith.addf %add3A_693, %gather3A_699 : vector<16xf32>
      %swap3A_701 = arith.constant 0 : index
      %swap3A_702 = tpu.vector_load %arg10[%swap3A_701] {strides = array<i32>} : memref<16xf32, #tpu.memory_space<vmem>>, vector<16xf32>,
      tpu.vector_store %arg10[%swap3A_701], %add3A_700 {strides = array<i32>} : memref<16xf32, #tpu.memory_space<vmem>>, vector<16xf32>,
      %xor3A_703 = arith.constant 1 : i32
      %xor3A_704 = vector.broadcast %xor3A_703 : i32 to vector<16xi32>
      %xor3A_705 = arith.xori %iota3A, %xor3A_704 : vector<16xi32>
      %gather3A_706 = tpu.vector_load_idx %arg10[%xor3A_705] : memref<16xf32, #tpu.memory_space<vmem>>[vector<16xi32>], vector<16xf32>,
      %add3A_707 = arith.addf %add3A_700, %gather3A_706 : vector<16xf32>
      %sub3A_708 = arith.constant 1.000000e+00 : f32
      %sub3A_709 = vector.broadcast %sub3A_708 : f32 to vector<16xf32>
      %sub3A_710 = arith.subf %add3A_707, %sub3A_709 : vector<16xf32>
      %mul3A_711 = arith.constant 2.000000e+00 : f32
      %mul3A_712 = vector.broadcast %mul3A_711 : f32 to vector<16xf32>
      %mul3A_713 = arith.mulf %mul3A_712, %sub3A_710 : vector<16xf32>
      %add3A_714 = arith.constant 1.000000e+00 : f32
      %add3A_715 = vector.broadcast %add3A_714 : f32 to vector<16xf32>
      %add3A_716 = arith.addf %add3A_707, %add3A_715 : vector<16xf32>
      %div3A = arith.divf %mul3A_713, %add3A_716 : vector<16xf32>
      %sub3A_717 = arith.constant 1.000000e+00 : f32
      %sub3A_718 = vector.broadcast %sub3A_717 : f32 to vector<16xf32>
      %sub3A_719 = arith.subf %div3A, %sub3A_718 : vector<16xf32>
      %neg3A = arith.constant 0.000000e+00 : f32
      %neg3A_720 = vector.broadcast %neg3A : f32 to vector<16xf32>
      %neg3A_721 = arith.subf %neg3A_720, %div3A : vector<16xf32>
      %exp3A_722 = math.exp %neg3A_721 : vector<16xf32>
      %mul3A_723 = arith.mulf %add3A_707, %exp3A_722 : vector<16xf32>
      %add3A_724 = arith.addf %sub3A_719, %mul3A_723 : vector<16xf32>
      %sub3A_725 = arith.constant 1.000000e+00 : f32
      %sub3A_726 = vector.broadcast %sub3A_725 : f32 to vector<16xf32>
      %sub3A_727 = arith.subf %add3A_724, %sub3A_726 : vector<16xf32>
      %neg3A_728 = arith.constant 0.000000e+00 : f32
      %neg3A_729 = vector.broadcast %neg3A_728 : f32 to vector<16xf32>
      %neg3A_730 = arith.subf %neg3A_729, %add3A_724 : vector<16xf32>
      %exp3A_731 = math.exp %neg3A_730 : vector<16xf32>
      %mul3A_732 = arith.mulf %add3A_707, %exp3A_731 : vector<16xf32>
      %add3A_733 = arith.addf %sub3A_727, %mul3A_732 : vector<16xf32>
      %sub3A_734 = arith.constant 1.000000e+00 : f32
      %sub3A_735 = vector.broadcast %sub3A_734 : f32 to vector<16xf32>
      %sub3A_736 = arith.subf %add3A_733, %sub3A_735 : vector<16xf32>
      %neg3A_737 = arith.constant 0.000000e+00 : f32
      %neg3A_738 = vector.broadcast %neg3A_737 : f32 to vector<16xf32>
      %neg3A_739 = arith.subf %neg3A_738, %add3A_733 : vector<16xf32>
      %exp3A_740 = math.exp %neg3A_739 : vector<16xf32>
      %mul3A_741 = arith.mulf %add3A_707, %exp3A_740 : vector<16xf32>
      %add3A_742 = arith.addf %sub3A_736, %mul3A_741 : vector<16xf32>
      %sub3A_743 = arith.subf %sub3A, %add3A_742 : vector<16xf32>
      %swap3A_744 = arith.constant 0 : index
      %swap3A_745 = tpu.vector_load %arg9[%swap3A_744] {strides = array<i32>} : memref<16xf32, #tpu.memory_space<vmem>>, vector<16xf32>,
      tpu.vector_store %arg9[%swap3A_744], %sub3A_743 {strides = array<i32>} : memref<16xf32, #tpu.memory_space<vmem>>, vector<16xf32>,
      "tpu.region"() ({
        %run_scoped3A = tpu.sem_alloc : memref<!tpu.dma_semaphore, #tpu.memory_space<semaphore_mem>>
        tpu.enqueue_dma source(%arg9 : memref<16xf32, #tpu.memory_space<vmem>>) target(%arg5 : memref<16xf32, #tpu.memory_space<hbm>>) target_semaphore(%run_scoped3A : memref<!tpu.dma_semaphore, #tpu.memory_space<semaphore_mem>>)
        tpu.wait_dma2 semaphore(%run_scoped3A : memref<!tpu.dma_semaphore, #tpu.memory_space<semaphore_mem>>) src(%arg9 : memref<16xf32, #tpu.memory_space<vmem>>) dst(%arg5 : memref<16xf32, #tpu.memory_space<hbm>>)
        tpu.yield
      }) : () -> ()
    } else {
    }
    return
  }
}

</mosaic_0001>

<sc_bundles>
// kernel: kernel.3.cloned.1.call-start
scs
__scs_entry_jumppad:
0x0: {  	(pc) =	sbr.rel $0x88, $3  }
0x1: {  	(tag) =	ssettag $0x0;
	lr =	simm.s32 $0x1  }
0x2: {  	[smem:$0x3F9E] =	sst lr;
	_ =	strace $0xD0000000  }
0x3: {  	_ = 	snop  }
0x4: {  	_ = 	snop  }
0x5: {  	_ = 	snop  }
0x6: {  	_ = 	snop  }
0x7: {  	_ = 	snop  }
__scs_overlays_trampoline_lowered:
0x8: {  	[smem:$0x3FAD] =	sst s0  }
0x9: {  	[smem:$0x3FAE] =	sst s1  }
0xa: {  	[smem:$0x3FAF] =	sst s2  }
0xb: {  	[smem:$0x3FB0] =	sst s3  }
0xc: {  	[smem:$0x3FB1] =	sst s4  }
0xd: {  	[smem:$0x3FB2] =	sst s5  }
0xe: {  	[smem:$0x3FB3] =	sst s6  }
0xf: {  	[smem:$0x3FB4] =	sst s7  }
0x10: {  	[smem:$0x3FB5] =	sst s8  }
0x11: {  	[smem:$0x3FB6] =	sst s9;
	s0 =	simm.s32 @!p0 $0x0  }
0x12: {  	s1 =	sld [smem:$0x3F9C];
	s0 =	simm.s32 @p0 $0x1  }
0x13: {  	[smem:$0x3FB7] =	sst s0;
	s0 =	simm.s32 @!p1 $0x0  }
0x14: {  	s2 =	sld [smem:$0x3F9B];
	s0 =	simm.s32 @p1 $0x1  }
0x15: {  	[smem:$0x3FB8] =	sst s0;
	s0 =	simm.s32 @!p2 $0x0  }
0x16: {  	s3 =	sld [smem:$0x3FDB];
	s0 =	simm.s32 @p2 $0x1  }
0x17: {  	s4 =	simm.s32 $0x1BF5;
	[smem:$0x3FBA] =	sst s0  }
0x18: {  	s0 =	sld [smem:$0x3F9D];
	_ =	swait.ge [sflag:s4], $0x0  }
0x19: {  	s7 =	sld [smem:$0x3F9E]  }
0x1a: {  	s8 =	sadd.s32 $0xFFFFE003, lr  }
0x1b: {  	s9 =	sadd.s32 $0xFFFFFEF7, lr;
	s5 =	simm.s32 $0xFFFFFFFF;
	p2 =	slt.u32 s8, $0xFFFFF086  }
0x1c: {  	p1 =	slt.u32 s9, $0xF7A;
	s5 =	simm.s32 @!p2 $0x0  }
0x1d: {  	s5 =	simm.s32 @p1 $0x1;
	p0 =	seq.s32 s7, s2  }
0x1e: {  	s7 =	smul.u32 @!p0 $0xF7A, s2;
	p2 =	seq.s32 @!p0 s5, $0x0  }
0x1f: {  	s9 =	smul.u32 $0xF7A, s1;
	s8 =	simm.s32 @!p0 $0x1BF5;
	p2 =	por !p2, p0  }
0x20: {  	[sflag:s8] =	ssyncset.s32 @!p0 $0xFFFFF086;
	s6 =	sadd.s32 @!p0 s3, s7;
	s7 =	simm.s32 @!p0 $0x108  }
0x21: {  	s3 =	sadd.s32 s3, s9;
	s6 =	sadd.s32 @!p0 $0x88, s6;
	s7 =	simm.s32 @p2 $0x1082  }
0x22: {  	[simem:s7], [sflag:s8] =	dma.local @!p0 [hbm:s6], $0xF7A  }
0x23: {  	s9 =	sor.u32 $0xD0000000, s2;
	s6 =	simm.s32 $0x108;
	_ =	swait.ge @!p0 [sflag:s8], $0x0  }
0x24: {  	s3 =	sadd.s32 $0x88, s3;
	s6 =	simm.s32 @!p1 $0x1082;
	[sflag:s4] =	ssyncset.s32 $0xFFFFF086  }
0x25: {  	[simem:s6], [sflag:s4] =	dma.local [hbm:s3], $0xF7A  }
0x26: {  	[smem:$0x3F9E] =	sst s1;
	(tag) =	ssettag s2;
	_ =	strace s9  }
0x27: {  	s1 =	sld [smem:$0x3FAE]  }
0x28: {  	s2 =	sld [smem:$0x3FAF]  }
0x29: {  	s4 =	sld [smem:$0x3FB1]  }
0x2a: {  	p0 =	seq.s32 s5, $0x0;
	s5 =	sld [smem:$0x3FB2]  }
0x2b: {  	s6 =	sld [smem:$0x3FB3]  }
0x2c: {  	s7 =	sld [smem:$0x3FB4]  }
0x2d: {  	s3 =	simm.s32 $0x108;
	s8 =	sld [smem:$0x3FB5]  }
0x2e: {  	s3 =	simm.s32 @!p0 $0x1082;
	s9 =	sld [smem:$0x3FB6]  }
0x2f: {  	lr =	sadd.s32 s0, s3;
	s0 =	sld [smem:$0x3FAD]  }
0x30: {  	s3 =	sld [smem:$0x3FB0]  }
0x31: {  	[smem:$0x3FB9] =	sst s10  }
0x32: {  	s10 =	sld [smem:$0x3FB7];
	_ =	sdelay $0x3  }
0x33: {  	p0 =	seq.s32 s10, $0x1;
	s10 =	sld [smem:$0x3FB9];
	_ =	sdelay $0x3  }
0x34: {  	[smem:$0x3FB9] =	sst s10  }
0x35: {  	s10 =	sld [smem:$0x3FB8];
	_ =	sdelay $0x3  }
0x36: {  	p1 =	seq.s32 s10, $0x1;
	s10 =	sld [smem:$0x3FB9];
	_ =	sdelay $0x3  }
0x37: {  	[smem:$0x3FB9] =	sst s10  }
0x38: {  	s10 =	sld [smem:$0x3FBA]  }
0x39: {  	_ = 	snop;
	(pc) =	sbr.ind lr, $3  }
0x3a: {  	_ = 	snop  }
0x3b: {  	_ = 	snop  }
0x3c: {  	p2 =	seq.s32 s10, $0x1;
	s10 =	sld [smem:$0x3FB9]  }
0x3d: {  	_ =	shalt  }
0x3e: {  	_ =	shalt  }
0x3f: {  	_ =	shalt  }
0x40: {  	_ =	shalt  }
0x41: {  	_ =	shalt  }
0x42: {  	_ =	shalt  }
0x43: {  	_ =	shalt  }
0x44: {  	_ =	shalt  }
0x45: {  	_ =	shalt  }
0x46: {  	_ =	shalt  }
0x47: {  	_ =	shalt  }
0x48: {  	_ =	shalt  }
0x49: {  	_ =	shalt  }
0x4a: {  	_ =	shalt  }
0x4b: {  	_ =	shalt  }
0x4c: {  	_ =	shalt  }
0x4d: {  	_ =	shalt  }
0x4e: {  	_ =	shalt  }
0x4f: {  	_ =	shalt  }
0x50: {  	_ =	shalt  }
0x51: {  	_ =	shalt  }
0x52: {  	_ =	shalt  }
0x53: {  	_ =	shalt  }
0x54: {  	_ =	shalt  }
0x55: {  	_ =	shalt  }
0x56: {  	_ =	shalt  }
0x57: {  	_ =	shalt  }
0x58: {  	_ =	shalt  }
0x59: {  	_ =	shalt  }
0x5a: {  	_ =	shalt  }
0x5b: {  	_ =	shalt  }
0x5c: {  	_ =	shalt  }
0x5d: {  	_ =	shalt  }
0x5e: {  	_ =	shalt  }
0x5f: {  	_ =	shalt  }
0x60: {  	_ =	shalt  }
0x61: {  	_ =	shalt  }
0x62: {  	_ =	shalt  }
0x63: {  	_ =	shalt  }
0x64: {  	_ =	shalt  }
0x65: {  	_ =	shalt  }
0x66: {  	_ =	shalt  }
0x67: {  	_ =	shalt  }
0x68: {  	_ =	shalt  }
0x69: {  	_ =	shalt  }
0x6a: {  	_ =	shalt  }
0x6b: {  	_ =	shalt  }
0x6c: {  	_ =	shalt  }
0x6d: {  	_ =	shalt  }
0x6e: {  	_ =	shalt  }
0x6f: {  	_ =	shalt  }
0x70: {  	_ =	shalt  }
0x71: {  	_ =	shalt  }
0x72: {  	_ =	shalt  }
0x73: {  	_ =	shalt  }
0x74: {  	_ =	shalt  }
0x75: {  	_ =	shalt  }
0x76: {  	_ =	shalt  }
0x77: {  	_ =	shalt  }
0x78: {  	_ =	shalt  }
0x79: {  	_ =	shalt  }
0x7a: {  	_ =	shalt  }
0x7b: {  	_ =	shalt  }
0x7c: {  	_ =	shalt  }
0x7d: {  	_ =	shalt  }
0x7e: {  	_ =	shalt  }
0x7f: {  	_ =	shalt  }
0x80: {  	_ =	shalt  }
0x81: {  	_ =	shalt  }
0x82: {  	_ =	shalt  }
0x83: {  	_ =	shalt  }
0x84: {  	_ =	shalt  }
0x85: {  	_ =	shalt  }
0x86: {  	_ =	shalt  }
0x87: {  	_ =	shalt  }
.Lfunc_end0:
.L_simem_size_0:
called_computation_lowered:
.L_overlay_start_0:
0x88: {  	s2 =	sld [smem:$0x3FD9]  }
0x89: {  	s3 =	sld [smem:$0x3FFE];
	_ =	sdelay $0x1  }
0x8a: {  	s1 =	srdreg.scid  }
0x8b: {  	s0 =	sand.u32 $0x1, s1  }
0x8c: {  	s17 =	sshll.u32 s0, $0xA;
	s2 =	sadd.s32 s3, s2  }
0x8d: {  	s2 =	sadd.s32 s2, s17  }
0x8e: {  	[smem:$0x3FC5] =	sst s2  }
0x8f: {  	_ = 	snop  }
0x90: {  	s2 =	sld [smem:$0x3FC9]  }
0x91: {  	s18 =	sld [smem:$0x3FC8]  }
0x92: {  	s4 =	sld [smem:$0x3FD0];
	(tm) =	ssettm $0x1  }
0x93: {  	s5 =	sld [smem:$0x3FFB];
	_ =	sdelay $0x3  }
0x94: {  	_ =	strace s5  }
0x95: {  	s5 =	sld [smem:$0x3FFC];
	_ =	sdelay $0x3  }
0x96: {  	_ =	strace s5  }
0x97: {  	s5 =	sld [smem:$0x3FFD];
	_ =	sdelay $0x3  }
0x98: {  	_ =	strace s5  }
0x99: {  	_ =	strace $0x8FFFFFFF  }
0x9a: {  	s19 =	sld [smem:$0x3FDB];
	_ =	sdelay $0x1  }
0x9b: {  	s6 =	simm.s32 $_scs_section_size  }
0x9c: {  	s7 =	simm.s32 $_size__tile_overlayer_lowered;
	s8 =	simm.s32 $_tile_overlayer_lowered  }
0x9d: {  	s22 =	simm.s32 $0x1BFF;
	s21 =	sshll.u32 s8, $0x1;
	s5 =	sadd.s32 s6, s19  }
0x9e: {  	s9 =	simm.s32 $0x0;
	s20 =	sshll.u32 s7, $0x1;
	s7 =	sadd.s32 s21, s5  }
0x9f: {  	[timem:s9], [sflag:s22] =	dma.local [hbm:s7], s20  }
0xa0: {  	_ =	swait.ge [sflag:s22], s20  }
0xa1: {  	s6 =	ssub.s32 $0x0, s20;
	[sflag:s22] =	ssyncset.done $0x0  }
0xa2: {  	[sflag:s22] =	ssyncadd.s32 s6;
	_ =	sdelay $0x1  }
0xa3: {  	s23 =	simm.s32 $0x1B8B  }
0xa4: {  	_ =	swait.ge [sflag:s23], $0x1  }
0xa5: {  	[sflag:s23] =	ssyncset.done $0x0  }
0xa6: {  	s25 =	simm.s32 $0x1B8E;
	s24 =	sld [smem:$0x3FFE];
	[sflag:s23] =	ssyncadd.s32 $0xFFFFFFFF  }
0xa7: {  	s26 =	simm.s32 $execute0_lowered;
	[smem:$0x3FD2] =	sst s25  }
0xa8: {  	s7 =	sshll.u32 s26, $0x1;
	_ =	strace $0x80000046;
	[dreg:$0x1] =	wrdreg $0xFFFFFFFF  }
0xa9: {  	s28 =	simm.s32 $_size_execute0_lowered;
	s5 =	sadd.s32 s5, s7;
	[dreg:$0x0] =	wrdreg $0x0  }
0xaa: {  	s7 =	sshll.u32 s28, $0x1;
	[dreg:$0x2] =	wrdreg s5  }
0xab: {  	[dreg:$0x3] =	wrdreg s7  }
0xac: {  	[dreg:$0x4] =	wrdreg $0xC0  }
0xad: {  	_ =	task [dreg:s9], $0x5FFFF  }
0xae: {  	[dreg:$0x1] =	wrdreg $0xFFFFFFFF  }
0xaf: {  	[dreg:$0x0] =	wrdreg $0x60  }
0xb0: {  	[dreg:$0x2] =	wrdreg s2  }
0xb1: {  	[dreg:$0x3] =	wrdreg s18  }
0xb2: {  	[dreg:$0x4] =	wrdreg s4  }
0xb3: {  	[dreg:$0x5] =	wrdreg s24  }
0xb4: {  	[dreg:$0x6] =	wrdreg $0x9  }
0xb5: {  	_ =	task.clear_ibuf [dreg:s9], $0x7FFFF;
	_ =	strace $0x90000046  }
0xb6: {  	s29 =	simm.s32 $0x9;
	_ =	strace $0x80000048  }
0xb7: {  	_ =	swait.ge [sflag:s29], $0x1  }
0xb8: {  	[sflag:s29] =	ssyncadd.s32 $0xFFFFFFFF  }
0xb9: {  	_ =	strace $0x90000048  }
0xba: {  	_ =	sfence  }
0xbb: {  	s30 =	sld [smem:$0x0];
	_ =	sdelay $0x2  }
0xbc: {  	s31 =	sshll.u32 s1, $0xD;
	s1 =	sshrl.u32 s1, $0x2  }
0xbd: {  	s3 =	sand.u32 $0x4000, s31;
	s1 =	sadd.s32 s1, s30  }
0xbe: {  	s0 =	sor.u32 s3, s0;
	s1 =	sshll.u32 s1, $0x11  }
0xbf: {  	s0 =	sor.u32 s1, s0  }
0xc0: {  	s0 =	sadd.s32 $0x8F2B, s0  }
0xc1: {  	[sflag:s0] =	ssyncadd.remote.s32 $0x1  }
0xc2: {  	_ =	sfence.sel $0xFFFF  }
0xc3: {  	[dreg:$0x0] =	wrdreg $0xFFFFFFFF;
	(pc) =	sbr.abs _section_cstart, $3  }
0xc4: {  	[dreg:$0x1] =	wrdreg $0xFFFFFFFF  }
0xc5: {  	_ =	task.clear_ibuf [dreg:s9], $0x2FFFF;
	_ =	strace $0x9FFFFFFF  }
0xc6: {  	(tm) =	ssettm $0x7FFFFFFF  }
0xc7: {  	_ =	shalt  }
tec
execute0_lowered:
.L_overlay_start_1:
0x0: {  	(tag) =	ssettag $0x1  }
0x1: {  	s1 =	srdreg.scid  }
0x2: {  	s6 =	sand.u32 $0x1, s1;
	s1 =	stileid.u32  }
0x3: {  	s7 =	sor.u32 s1, s6  }
0x4: {  	p0 =	sne.s32 s7, $0x0  }
.Ltmp0:
0x5: {  	s0 =	rddreg [dreg:$0x0];
	(pc) =	sbr.rel @p0 .LBB2_3-.Ltmp0, $4  }
0x6: {  	s2 =	rddreg [dreg:$0x1]  }
0x7: {  	s4 =	rddreg [dreg:$0x2]  }
0x8: {  	s5 =	rddreg [dreg:$0x3]  }
0x9: {  	s3 =	rddreg [dreg:$0x4];
	_ =	strace $0x80000047  }
0xa: {  	v0 =	vimm.s32 $0x76543210  }
0xb: {  	v1 =	vimm.s32 $0xFEDCBA98;
	v2 =	vimm.s32 $0xBA98FEDC;
	v3 =	vimm.s32 $0x32107654  }
0xc: {  	v4 =	vimm.s32 $0xDCFE98BA;
	v5 =	vimm.s32 $0x54761032;
	v6 =	vimm.s32 $0xEFCDAB89  }
0xd: {  	v7 =	vimm.s32 $0x67452301;
	vm0 =	vmmov $0x1;
	vm1 =	vcmask $0x308  }
0xe: {  	v0 =	vunpack.c.l.s4.s8 v0;
	v1 =	vunpack.c.l.s4.s8 v1;
	v2 =	vunpack.c.l.s4.s8 v2  }
0xf: {  	v3 =	vunpack.c.l.s4.s8 v3;
	v4 =	vunpack.c.l.s4.s8 v4;
	v5 =	vunpack.c.l.s4.s8 v5  }
0x10: {  	v6 =	vunpack.c.l.s4.s8 v6;
	v7 =	vunpack.c.l.s4.s8 v7;
	v2 =	vunpack.c.0.s8.s32 v2  }
0x11: {  	v3 =	vunpack.c.0.s8.s32 v3;
	v4 =	vunpack.c.0.s8.s32 v4;
	v5 =	vunpack.c.0.s8.s32 v5  }
0x12: {  	v1 =	vunpack.c.0.s8.s32 v1;
	v6 =	vunpack.c.0.s8.s32 v6;
	v7 =	vunpack.c.0.s8.s32 v7  }
0x13: {  	s6 =	ssub.s32 $0x2, s6;
	vm2 =	vcmask $0x70C;
	v0 =	vunpack.c.0.s8.s32 v0;
	v2 =	vcombine.low v3, v2  }
0x14: {  	s5 =	sadd.s32 $0x800, s5;
	s8 =	simm.s32 $0x1;
	s9 =	simm.s32 $0x100;
	v3 =	vcombine.low v5, v4;
	v4 =	vcombine.low v7, v6;
	v1 =	vand.u32 $0xF, v1  }
0x15: {  	s10 =	simm.s32 $0x500;
	s11 =	simm.s32 $0x600;
	vm3 =	vcmask $0xB10;
	vm4 =	vmmov $0xf;
	s7 =	sshrl.u32 s6, $0x1;
	v0 =	vcombine.low v1, v0  }
0x16: {  	s12 =	simm.s32 $0x580;
	s6 =	ssub.s32 s6, s7;
	s7 =	simm.s32 $0x0;
	v1 =	vand.u32 $0xF, v2;
	v2 =	vand.u32 $0xF, v3;
	v3 =	vand.u32 $0xF, v4  }
.LBB2_2:
0x17: {  	[tilespmem:s7], [sflag:$0x1] =	stream.linear.gather [hbm4b:s0+s7], $0x100, $0x38;
	[tilespmem:$0x680] =	vst v63  }
0x18: {  	_ =	swait.ge [sflag:s8], $0x100  }
0x19: {  	[sflag:s8] =	ssyncset.done $0x0  }
0x1a: {  	[sflag:s8] =	ssyncadd.s32 $0xFFFFFF00  }
0x1b: {  	[tilespmem:s9], [sflag:$0x1] =	stream.linear.gather [hbm4b:s2+s7], $0x400, $0x38;
	[tilespmem:$0x680] =	vst v63  }
0x1c: {  	_ =	swait.ge [sflag:s8], $0x400  }
0x1d: {  	[sflag:s8] =	ssyncset.done $0x0  }
0x1e: {  	[sflag:s8] =	ssyncadd.s32 $0xFFFFFC00  }
0x1f: {  	[tilespmem:s10], [sflag:$0x1] =	stream.linear.gather [hbm4b:s4+s7], $0x80, $0x38;
	[tilespmem:$0x680] =	vst v63  }
0x20: {  	_ =	swait.ge [sflag:s8], $0x80  }
0x21: {  	[sflag:s8] =	ssyncset.done $0x0  }
0x22: {  	[sflag:s8] =	ssyncadd.s32 $0xFFFFFF80  }
0x23: {  	v4 =	vld [tilespmem:$0x100]  }
0x24: {  	v5 =	vld [tilespmem:$0x0]  }
0x25: {  	v6 =	vld [tilespmem:$0x110]  }
0x26: {  	v7 =	vld [tilespmem:$0x10]  }
0x27: {  	v8 =	vld [tilespmem:$0x120]  }
0x28: {  	v9 =	vld [tilespmem:$0x20]  }
0x29: {  	v10 =	vld [tilespmem:$0x130]  }
0x2a: {  	v11 =	vld [tilespmem:$0x30]  }
0x2b: {  	v20 =	vld [tilespmem:$0x140]  }
0x2c: {  	v21 =	vld [tilespmem:$0x40]  }
0x2d: {  	v22 =	vld [tilespmem:$0x150]  }
0x2e: {  	v23 =	vld [tilespmem:$0x50]  }
0x2f: {  	v24 =	vld [tilespmem:$0x160]  }
0x30: {  	v25 =	vld [tilespmem:$0x60]  }
0x31: {  	v26 =	vld [tilespmem:$0x170]  }
0x32: {  	v27 =	vld [tilespmem:$0x70]  }
0x33: {  	v28 =	vld [tilespmem:$0x300]  }
0x34: {  	v29 =	vld [tilespmem:$0x80]  }
0x35: {  	v30 =	vld [tilespmem:$0x310]  }
0x36: {  	v31 =	vld [tilespmem:$0x90]  }
0x37: {  	v32 =	vld [tilespmem:$0x320]  }
0x38: {  	v33 =	vld [tilespmem:$0xA0]  }
0x39: {  	v34 =	vld [tilespmem:$0x330]  }
0x3a: {  	v35 =	vld [tilespmem:$0xB0]  }
0x3b: {  	v36 =	vld [tilespmem:$0x340]  }
0x3c: {  	v37 =	vld [tilespmem:$0xC0]  }
0x3d: {  	v38 =	vld [tilespmem:$0x350]  }
0x3e: {  	v39 =	vld [tilespmem:$0xD0]  }
0x3f: {  	v40 =	vld [tilespmem:$0x360]  }
0x40: {  	v41 =	vld [tilespmem:$0xE0]  }
0x41: {  	v42 =	vld [tilespmem:$0x370]  }
0x42: {  	v43 =	vld [tilespmem:$0xF0]  }
0x43: {  	v44 =	vld [tilespmem:$0x180]  }
0x44: {  	v45 =	vld [tilespmem:$0x0]  }
0x45: {  	v46 =	vld [tilespmem:$0x190]  }
0x46: {  	v47 =	vld [tilespmem:$0x10]  }
0x47: {  	v48 =	vld [tilespmem:$0x1A0]  }
0x48: {  	v49 =	vld [tilespmem:$0x20];
	v4 =	vmul.f32 v5, v4;
	v5 =	vmul.f32 v7, v6  }
0x49: {  	v12 =	vld [tilespmem:$0x1B0]  }
0x4a: {  	v13 =	vld [tilespmem:$0x30];
	v4 =	vadd.f32 v5, v4;
	v5 =	vmul.f32 v9, v8  }
0x4b: {  	v51 =	vld [tilespmem:$0x1C0]  }
0x4c: {  	v52 =	vld [tilespmem:$0x40];
	v4 =	vadd.f32 v5, v4;
	v5 =	vmul.f32 v11, v10  }
0x4d: {  	v54 =	vld [tilespmem:$0x1D0]  }
0x4e: {  	v55 =	vld [tilespmem:$0x50];
	v4 =	vadd.f32 v5, v4;
	v5 =	vmul.f32 v21, v20  }
0x4f: {  	v57 =	vld [tilespmem:$0x1E0]  }
0x50: {  	v58 =	vld [tilespmem:$0x60];
	v4 =	vadd.f32 v5, v4;
	v5 =	vmul.f32 v23, v22  }
0x51: {  	v60 =	vld [tilespmem:$0x1F0]  }
0x52: {  	v61 =	vld [tilespmem:$0x70];
	v4 =	vadd.f32 v5, v4;
	v5 =	vmul.f32 v25, v24  }
0x53: {  	v63 =	vld [tilespmem:$0x380]  }
0x54: {  	v16 =	vld [tilespmem:$0x80];
	v4 =	vadd.f32 v5, v4;
	v5 =	vmul.f32 v27, v26  }
0x55: {  	v18 =	vld [tilespmem:$0x390]  }
0x56: {  	v19 =	vld [tilespmem:$0x90];
	v4 =	vadd.f32 v5, v4;
	v5 =	vmul.f32 v29, v28  }
0x57: {  	v14 =	vld [tilespmem:$0x230]  }
0x58: {  	v15 =	vld [tilespmem:$0x30];
	v4 =	vadd.f32 v5, v4;
	v5 =	vmul.f32 v31, v30  }
0x59: {  	v6 =	vmul.f32 v45, v44;
	v44 =	vld [tilespmem:$0x200]  }
0x5a: {  	v45 =	vld [tilespmem:$0x0];
	v4 =	vadd.f32 v5, v4;
	v5 =	vmul.f32 v33, v32  }
0x5b: {  	v50 =	vmul.f32 v47, v46;
	v46 =	vld [tilespmem:$0x210]  }
0x5c: {  	v47 =	vld [tilespmem:$0x10];
	v4 =	vadd.f32 v5, v4;
	v5 =	vmul.f32 v35, v34  }
0x5d: {  	v53 =	vmul.f32 v49, v48;
	v48 =	vld [tilespmem:$0x220]  }
0x5e: {  	v49 =	vld [tilespmem:$0x20];
	v4 =	vadd.f32 v5, v4;
	v5 =	vmul.f32 v37, v36  }
0x5f: {  	v59 =	vmul.f32 v52, v51;
	v51 =	vld [tilespmem:$0x240]  }
0x60: {  	v52 =	vld [tilespmem:$0x40];
	v4 =	vadd.f32 v5, v4;
	v5 =	vmul.f32 v39, v38  }
0x61: {  	v62 =	vmul.f32 v55, v54;
	v54 =	vld [tilespmem:$0x250]  }
0x62: {  	v55 =	vld [tilespmem:$0x50];
	v4 =	vadd.f32 v5, v4;
	v5 =	vmul.f32 v41, v40  }
0x63: {  	v17 =	vmul.f32 v58, v57;
	v57 =	vld [tilespmem:$0x260]  }
0x64: {  	v58 =	vld [tilespmem:$0x60];
	v6 =	vadd.f32 v50, v6;
	v4 =	vadd.f32 v5, v4;
	v5 =	vmul.f32 v43, v42  }
0x65: {  	v50 =	vmul.f32 v47, v46;
	v46 =	vld [tilespmem:$0x280]  }
0x66: {  	v56 =	vmul.f32 v13, v12;
	v6 =	vadd.f32 v53, v6;
	v47 =	vld [tilespmem:$0x0];
	v4 =	vadd.f32 v5, v4  }
0x67: {  	v53 =	vmul.f32 v49, v48;
	v48 =	vld [tilespmem:$0x290]  }
0x68: {  	v49 =	vld [tilespmem:$0x10];
	v6 =	vadd.f32 v56, v6;
	[tilespmem:$0x600] =	vst v4  }
0x69: {  	v5 =	vld.idx.msk [tilespmem:v0+s11+$0x0], $0xffff  }
0x6a: {  	v21 =	vld [tilespmem:$0x3A0];
	v6 =	vadd.f32 v59, v6  }
0x6b: {  	v20 =	vmul.f32 v61, v60;
	v60 =	vld [tilespmem:$0x270]  }
0x6c: {  	v61 =	vld [tilespmem:$0x70];
	v6 =	vadd.f32 v62, v6  }
0x6d: {  	v22 =	vld [tilespmem:$0xA0]  }
0x6e: {  	v24 =	vld [tilespmem:$0x3B0];
	v6 =	vadd.f32 v17, v6;
	v4 =	vadd.f32 v5, v4  }
0x6f: {  	v25 =	vld [tilespmem:$0xB0]  }
0x70: {  	v23 =	vmul.f32 v16, v63;
	v27 =	vld [tilespmem:$0x3C0];
	v6 =	vadd.f32 v20, v6;
	[tilespmem:$0x600] =	vst v4  }
0x71: {  	v5 =	vld.idx.msk [tilespmem:v1+s11+$0x0], $0xffff  }
0x72: {  	v26 =	vmul.f32 v19, v18;
	v28 =	vld [tilespmem:$0xC0];
	v6 =	vadd.f32 v23, v6  }
0x73: {  	v30 =	vld [tilespmem:$0x3D0]  }
0x74: {  	v29 =	vmul.f32 v22, v21;
	v31 =	vld [tilespmem:$0xD0];
	v6 =	vadd.f32 v26, v6  }
0x75: {  	v33 =	vld [tilespmem:$0x3E0]  }
0x76: {  	v32 =	vmul.f32 v25, v24;
	v6 =	vadd.f32 v29, v6;
	v34 =	vld [tilespmem:$0xE0];
	v4 =	vadd.f32 v5, v4  }
0x77: {  	v36 =	vld [tilespmem:$0x3F0]  }
0x78: {  	v8 =	vmul.f32 v45, v44;
	v35 =	vmul.f32 v28, v27;
	v6 =	vadd.f32 v32, v6;
	v37 =	vld [tilespmem:$0xF0];
	[tilespmem:$0x600] =	vst v4  }
0x79: {  	v5 =	vld.idx.msk [tilespmem:v2+s11+$0x0], $0xffff  }
0x7a: {  	v8 =	vadd.f32 v50, v8;
	v50 =	vld [tilespmem:$0x2A0];
	v6 =	vadd.f32 v35, v6;
	v38 =	vmul.f32 v31, v30  }
0x7b: {  	v63 =	vld [tilespmem:$0x400]  }
0x7c: {  	v59 =	vmul.f32 v52, v51;
	v51 =	vld [tilespmem:$0x20];
	v39 =	vmul.f32 v34, v33;
	v6 =	vadd.f32 v38, v6  }
0x7d: {  	v56 =	vmul.f32 v15, v14;
	v16 =	vld [tilespmem:$0x2B0];
	v8 =	vadd.f32 v53, v8  }
0x7e: {  	v53 =	vld [tilespmem:$0x2C0];
	v40 =	vmul.f32 v37, v36;
	v4 =	vadd.f32 v5, v4;
	v5 =	vadd.f32 v39, v6  }
0x7f: {  	v62 =	vmul.f32 v55, v54;
	v54 =	vld [tilespmem:$0x40]  }
0x80: {  	v8 =	vadd.f32 v56, v8;
	v56 =	vld [tilespmem:$0x2D0];
	v6 =	vadd.f32 v40, v5  }
0x81: {  	v18 =	vld [tilespmem:$0x80];
	[tilespmem:$0x600] =	vst v4  }
0x82: {  	v5 =	vld.idx.msk [tilespmem:v3+s11+$0x0], $0xffff;
	[tilespmem:$0x600] =	vst v6  }
0x83: {  	v41 =	vld.idx.msk [tilespmem:v0+s11+$0x0], $0xffff  }
0x84: {  	v8 =	vadd.f32 v59, v8;
	v20 =	vld [tilespmem:$0x410]  }
0x85: {  	v21 =	vld [tilespmem:$0x90]  }
0x86: {  	v19 =	vmul.f32 v58, v57;
	v8 =	vadd.f32 v62, v8;
	v23 =	vld [tilespmem:$0x420]  }
0x87: {  	v24 =	vld [tilespmem:$0xA0]  }
0x88: {  	v22 =	vmul.f32 v61, v60;
	v8 =	vadd.f32 v19, v8;
	v26 =	vld [tilespmem:$0x430];
	v6 =	vadd.f32 v41, v6  }
0x89: {  	v27 =	vld [tilespmem:$0xB0]  }
0x8a: {  	v25 =	vmul.f32 v18, v63;
	v8 =	vadd.f32 v22, v8;
	v29 =	vld [tilespmem:$0x440];
	[tilespmem:$0x600] =	vst v6  }
0x8b: {  	v42 =	vld.idx.msk [tilespmem:v1+s11+$0x0], $0xffff  }
0x8c: {  	v28 =	vmul.f32 v21, v20;
	v8 =	vadd.f32 v25, v8;
	v32 =	vld [tilespmem:$0x450]  }
0x8d: {  	v30 =	vld [tilespmem:$0xC0]  }
0x8e: {  	v8 =	vadd.f32 v28, v8;
	v31 =	vmul.f32 v24, v23;
	v35 =	vld [tilespmem:$0x460]  }
0x8f: {  	v33 =	vld [tilespmem:$0xD0]  }
0x90: {  	v34 =	vmul.f32 v27, v26;
	v8 =	vadd.f32 v31, v8;
	v38 =	vld [tilespmem:$0x470];
	v6 =	vadd.f32 v42, v6  }
0x91: {  	v36 =	vld [tilespmem:$0xE0]  }
0x92: {  	v8 =	vadd.f32 v34, v8;
	v37 =	vmul.f32 v30, v29;
	v39 =	vld [tilespmem:$0xF0];
	[tilespmem:$0x600] =	vst v6  }
0x93: {  	v43 =	vld.idx.msk [tilespmem:v2+s11+$0x0], $0xffff  }
0x94: {  	v17 =	vld [tilespmem:$0x30];
	v8 =	vadd.f32 v37, v8;
	v40 =	vmul.f32 v33, v32  }
0x95: {  	v10 =	vmul.f32 v47, v46;
	v52 =	vmul.f32 v49, v48;
	v57 =	vld [tilespmem:$0x50]  }
0x96: {  	v59 =	vld [tilespmem:$0x2E0];
	v8 =	vadd.f32 v40, v8;
	v41 =	vmul.f32 v36, v35  }
0x97: {  	v10 =	vadd.f32 v52, v10;
	v55 =	vmul.f32 v51, v50;
	v60 =	vld [tilespmem:$0x60]  }
0x98: {  	v62 =	vld [tilespmem:$0x2F0];
	v42 =	vadd.f32 v41, v8;
	v6 =	vadd.f32 v43, v6;
	v43 =	vmul.f32 v39, v38  }
0x99: {  	v10 =	vadd.f32 v55, v10;
	v58 =	vmul.f32 v17, v16;
	v63 =	vld [tilespmem:$0x70]  }
0x9a: {  	v22 =	vld [tilespmem:$0x80];
	v7 =	vadd.f32 v43, v42  }
0x9b: {  	v61 =	vmul.f32 v54, v53;
	v10 =	vadd.f32 v58, v10;
	v21 =	vld [tilespmem:$0x480];
	[tilespmem:$0x600] =	vst v6  }
0x9c: {  	v8 =	vld.idx.msk [tilespmem:v3+s11+$0x0], $0xffff;
	[tilespmem:$0x600] =	vst v7  }
0x9d: {  	v20 =	vmul.f32 v57, v56;
	v10 =	vadd.f32 v61, v10;
	v44 =	vld.idx.msk [tilespmem:v0+s11+$0x0], $0xffff  }
0x9e: {  	v25 =	vld [tilespmem:$0x90]  }
0x9f: {  	v10 =	vadd.f32 v20, v10;
	v28 =	vld [tilespmem:$0xA0];
	v23 =	vmul.f32 v60, v59  }
0xa0: {  	v24 =	vld [tilespmem:$0x490]  }
0xa1: {  	v26 =	vmul.f32 v63, v62;
	v27 =	vld [tilespmem:$0x4A0];
	v10 =	vadd.f32 v23, v10  }
0xa2: {  	v31 =	vld [tilespmem:$0xB0];
	v7 =	vadd.f32 v44, v7  }
0xa3: {  	v10 =	vadd.f32 v26, v10;
	v34 =	vld [tilespmem:$0xC0];
	v29 =	vmul.f32 v22, v21  }
0xa4: {  	v30 =	vld [tilespmem:$0x4B0];
	[tilespmem:$0x600] =	vst v7  }
0xa5: {  	v10 =	vadd.f32 v29, v10;
	v32 =	vmul.f32 v25, v24;
	v45 =	vld.idx.msk [tilespmem:v1+s11+$0x0], $0xffff  }
0xa6: {  	v33 =	vld [tilespmem:$0x4C0]  }
0xa7: {  	v37 =	vld [tilespmem:$0xD0];
	v10 =	vadd.f32 v32, v10;
	v35 =	vmul.f32 v28, v27  }
0xa8: {  	v36 =	vld [tilespmem:$0x4D0]  }
0xa9: {  	v40 =	vld [tilespmem:$0xE0];
	v10 =	vadd.f32 v35, v10;
	v38 =	vmul.f32 v31, v30  }
0xaa: {  	v39 =	vld [tilespmem:$0x4E0];
	v7 =	vadd.f32 v45, v7  }
0xab: {  	v41 =	vmul.f32 v34, v33;
	v10 =	vadd.f32 v38, v10;
	v42 =	vld [tilespmem:$0x4F0]  }
0xac: {  	v43 =	vld [tilespmem:$0xF0];
	[tilespmem:$0x600] =	vst v7  }
0xad: {  	v10 =	vadd.f32 v41, v10;
	v44 =	vmul.f32 v37, v36;
	v9 =	vld.idx.msk [tilespmem:v2+s11+$0x0], $0xffff;
	_ =	sdelay $0x1  }
0xae: {  	v10 =	vadd.f32 v44, v10;
	v45 =	vmul.f32 v40, v39;
	_ =	sdelay $0x1  }
0xaf: {  	v47 =	vmul.f32 v43, v42;
	v46 =	vadd.f32 v45, v10  }
0xb0: {  	v7 =	vadd.f32 v9, v7  }
0xb1: {  	v9 =	vadd.f32 v47, v46  }
0xb2: {  	[tilespmem:$0x600] =	vst v7  }
0xb3: {  	v48 =	vld.idx.msk [tilespmem:v3+s11+$0x0], $0xffff;
	[tilespmem:$0x600] =	vst v9  }
0xb4: {  	v49 =	vld.idx.msk [tilespmem:v0+s11+$0x0], $0xffff;
	_ =	sdelay $0x4  }
0xb5: {  	v9 =	vadd.f32 v49, v9;
	_ =	sdelay $0x1  }
0xb6: {  	[tilespmem:$0x600] =	vst v9  }
0xb7: {  	v50 =	vld.idx.msk [tilespmem:v1+s11+$0x0], $0xffff;
	_ =	sdelay $0x4  }
0xb8: {  	v9 =	vadd.f32 v50, v9;
	_ =	sdelay $0x1  }
0xb9: {  	[tilespmem:$0x600] =	vst v9  }
0xba: {  	v51 =	vld.idx.msk [tilespmem:v2+s11+$0x0], $0xffff;
	_ =	sdelay $0x4  }
0xbb: {  	v52 =	vld [tilespmem:$0x500];
	v9 =	vadd.f32 v51, v9;
	_ =	sdelay $0x1  }
0xbc: {  	v4 =	vadd.f32 v5, v4;
	[tilespmem:$0x600] =	vst v9  }
0xbd: {  	v5 =	vld.idx.msk [tilespmem:v3+s11+$0x0], $0xffff  }
0xbe: {  	v4 =	vnsel vm0, $0x0, v4;
	v6 =	vadd.f32 v8, v6  }
0xbf: {  	v4 =	vadd.f32 v4, v52  }
0xc0: {  	v6 =	vsel vm1, $0x0, v6;
	v7 =	vadd.f32 v48, v7  }
0xc1: {  	v4 =	vadd.f32 v6, v4  }
0xc2: {  	v53 =	vsel vm2, $0x0, v7;
	v5 =	vadd.f32 v5, v9  }
0xc3: {  	v4 =	vadd.f32 v53, v4  }
0xc4: {  	v5 =	vsel vm3, $0x0, v5  }
0xc5: {  	v4 =	vadd.f32 v5, v4;
	_ =	sdelay $0x1  }
0xc6: {  	v5 =	vnsel vm4, $0xFF61B1E6, v4  }
0xc7: {  	[tilespmem:$0x600] =	vst v5  }
0xc8: {  	v54 =	vld.idx.msk [tilespmem:v0+s11+$0x0], $0xffff;
	_ =	sdelay $0x4  }
0xc9: {  	v5 =	vmax.f32 v5, v54  }
0xca: {  	[tilespmem:$0x600] =	vst v5  }
0xcb: {  	v55 =	vld.idx.msk [tilespmem:v1+s11+$0x0], $0xffff;
	_ =	sdelay $0x4  }
0xcc: {  	v5 =	vmax.f32 v5, v55  }
0xcd: {  	[tilespmem:$0x600] =	vst v5  }
0xce: {  	v56 =	vld.idx.msk [tilespmem:v2+s11+$0x0], $0xffff;
	_ =	sdelay $0x4  }
0xcf: {  	v5 =	vmax.f32 v5, v56  }
0xd0: {  	[tilespmem:$0x600] =	vst v5  }
0xd1: {  	v57 =	vld.idx.msk [tilespmem:v3+s11+$0x0], $0xffff;
	_ =	sdelay $0x4  }
0xd2: {  	v5 =	vmax.f32 v5, v57  }
0xd3: {  	v4 =	vsub.f32 v4, v5;
	_ =	sdelay $0x1  }
0xd4: {  	v5 =	vmul.f32 $1.442695020e+00, v4;
	_ =	sdelay $0x1  }
0xd5: {  	(erf) = vpow2.f32 v5;
	_ =	sdelay $0x8  }
0xd6: {  	v5 =	vpop (erf)  }
0xd7: {  	v5 =	vnsel vm4, $0x0, v5  }
0xd8: {  	[tilespmem:$0x600] =	vst v5  }
0xd9: {  	v58 =	vld.idx.msk [tilespmem:v0+s11+$0x0], $0xffff;
	_ =	sdelay $0x4  }
0xda: {  	v5 =	vadd.f32 v5, v58;
	_ =	sdelay $0x1  }
0xdb: {  	[tilespmem:$0x600] =	vst v5  }
0xdc: {  	v59 =	vld.idx.msk [tilespmem:v1+s11+$0x0], $0xffff;
	_ =	sdelay $0x4  }
0xdd: {  	v5 =	vadd.f32 v5, v59;
	_ =	sdelay $0x1  }
0xde: {  	[tilespmem:$0x600] =	vst v5  }
0xdf: {  	v60 =	vld.idx.msk [tilespmem:v2+s11+$0x0], $0xffff;
	_ =	sdelay $0x4  }
0xe0: {  	v5 =	vadd.f32 v5, v60;
	_ =	sdelay $0x1  }
0xe1: {  	[tilespmem:$0x600] =	vst v5  }
0xe2: {  	v61 =	vld.idx.msk [tilespmem:v3+s11+$0x0], $0xffff;
	_ =	sdelay $0x4  }
0xe3: {  	v5 =	vadd.f32 v61, v5;
	_ =	sdelay $0x1  }
0xe4: {  	v6 =	vadd.f32 $1.000000000e+00, v5;
	_ =	sdelay $0x1  }
0xe5: {  	(erf) = vrcp.f32 v6;
	_ =	sdelay $0x5  }
0xe6: {  	v62 =	vadd.f32 $-1.000000000e+00, v5;
	_ =	sdelay $0x1  }
0xe7: {  	v6 =	vadd.f32 v62, v62  }
0xe8: {  	v63 =	vpop (erf)  }
0xe9: {  	v6 =	vmul.f32 v63, v6;
	_ =	sdelay $0x1  }
0xea: {  	v7 =	vsub.f32 $0.0e+00, v6;
	_ =	sdelay $0x1  }
0xeb: {  	v7 =	vmul.f32 $1.442695020e+00, v7;
	_ =	sdelay $0x1  }
0xec: {  	(erf) = vpow2.f32 v7;
	_ =	sdelay $0x8  }
0xed: {  	v7 =	vpop (erf)  }
0xee: {  	v6 =	vadd.f32 $-1.000000000e+00, v6;
	v7 =	vmul.f32 v7, v5;
	_ =	sdelay $0x1  }
0xef: {  	v6 =	vadd.f32 v7, v6;
	_ =	sdelay $0x1  }
0xf0: {  	v7 =	vsub.f32 $0.0e+00, v6;
	_ =	sdelay $0x1  }
0xf1: {  	v7 =	vmul.f32 $1.442695020e+00, v7;
	_ =	sdelay $0x1  }
0xf2: {  	(erf) = vpow2.f32 v7;
	_ =	sdelay $0x8  }
0xf3: {  	v7 =	vpop (erf)  }
0xf4: {  	v6 =	vadd.f32 $-1.000000000e+00, v6;
	v7 =	vmul.f32 v7, v5;
	_ =	sdelay $0x1  }
0xf5: {  	v6 =	vadd.f32 v7, v6;
	_ =	sdelay $0x1  }
0xf6: {  	v7 =	vsub.f32 $0.0e+00, v6;
	_ =	sdelay $0x1  }
0xf7: {  	v7 =	vmul.f32 $1.442695020e+00, v7;
	_ =	sdelay $0x1  }
0xf8: {  	(erf) = vpow2.f32 v7;
	_ =	sdelay $0x8  }
0xf9: {  	v7 =	vpop (erf)  }
0xfa: {  	v6 =	vadd.f32 $-1.000000000e+00, v6;
	v5 =	vmul.f32 v7, v5;
	_ =	sdelay $0x1  }
0xfb: {  	v5 =	vadd.f32 v5, v6;
	_ =	sdelay $0x1  }
0xfc: {  	v4 =	vsub.f32 v4, v5  }
0xfd: {  	p0 =	sne.s32 s6, $0x1  }
.Ltmp1:
0xfe: {  	[tilespmem:$0x580] =	vst v4;
	(pc) =	sbr.rel @p0 .LBB2_2-.Ltmp1, $4  }
0xff: {  	[hbm4b:s5+s7] =	stream.linear.scatter [tilespmem:s12], [sflag:$0x1], $0x80, $0x38;
	[tilespmem:$0x680] =	vst v63  }
0x100: {  	_ =	swait.ge [sflag:s8], $0x80  }
0x101: {  	[sflag:s8] =	ssyncset.done $0x0  }
0x102: {  	s6 =	sadd.s32 $0xFFFFFFFF, s6;
	[sflag:s8] =	ssyncadd.s32 $0xFFFFFF80  }
.LBB2_3:
0x103: {  	_ =	sfence.sel $0x180000  }
0x104: {  	[bflag:$0x0] =	sbarrier.arrive $0xFFFF  }
0x105: {  	p0 =	sne.s32 s1, $0x0;
	_ =	strace $0x90000047  }
0x106: {  	s0 =	sadd.s32 @!p0 $0x100000, s3;
	[bflag:$0x2] =	sbarrier.arrive $0xFFFF  }
0x107: {  	[sflag:s0] =	ssyncadd.tile.s32 @!p0 $0x1;
	_ =	shalt  }
.Lfunc_end2:
_tile_overlayer_lowered:
.L_overlay_start_2:
0x108: {  	(tag) =	ssettag $0x2  }
0x109: {  	s0 =	rddreg [dreg:$0x0];
	s2 =	stileid.u32  }
0x10a: {  	s1 =	rddreg [dreg:$0x1];
	p0 =	sne.s32 s2, $0x0  }
0x10b: {  	s3 =	rddreg [dreg:$0x2];
	[bflag:$0x3] =	sbarrier.arrive $0xFFFF;
	s2 =	simm.s32 @!p0 $0x1C01  }
0x10c: {  	[timem:s3], [sflag:s2] =	dma.local @!p0 [hbm:s0], s1  }
0x10d: {  	s0 =	simm.s32 @!p0 $0x1  }
0x10e: {  	_ =	swait.ge @!p0 [sflag:s0], s1  }
0x10f: {  	s1 =	ssub.s32 @!p0 $0x0, s1;
	[sflag:s0] =	ssyncset.done @!p0 $0x0  }
0x110: {  	[sflag:s0] =	ssyncadd.s32 @!p0 s1  }
0x111: {  	[bflag:$0x3] =	sbarrier.arrive $0xFFFF  }
0x112: {  	_ =	shalt  }

</sc_bundles>
